<compile_context>
chip_gen: v7x
topology: tpu7x:2x2x1
jax: 0.10.2.dev20260603
libtpu: 0.0.44.dev20260713+nightly
codegen_flags: <defaults>
</compile_context>

<pallas_src>
import jax
import jax.numpy as jnp
from jax import lax
from jax.experimental import pallas as pl
from jax.experimental.pallas import tpu as pltpu
from jax.experimental.pallas import tpu_sc as plsc

N_FIELDS = 26
VOCAB = 100000
DIM = 16
BATCH = 4096
HIST = 20

NUM_WORKERS = 32
B_PER_W = BATCH // NUM_WORKERS
HALF_B = B_PER_W // 2
GATHER_W = 128
ROWS_PER_HALF = HALF_B * HIST
N_GATHERS = ROWS_PER_HALF // GATHER_W


def _sc_kernel(tbl_hbm, idx_hbm, out_hbm,
               idx0, idx1, rows0, rows1, out_v, sem0, sem1):
    wid = lax.axis_index("s") * 2 + lax.axis_index("c")
    base = wid * B_PER_W

    def stage_fire(f, h, idx_v, rows_v, sem):
        pltpu.sync_copy(idx_hbm.at[f * NUM_WORKERS + wid, pl.ds(h * N_GATHERS, N_GATHERS)],
                        idx_v)
        for j in range(N_GATHERS):
            pltpu.async_copy(
                tbl_hbm.at[idx_v.at[j]],
                rows_v.at[pl.ds(j * GATHER_W, GATHER_W)],
                sem,
            )

    def drain(idx_v, rows_v, sem):
        for j in range(N_GATHERS):
            pltpu.make_async_copy(
                tbl_hbm.at[idx_v.at[j]],
                rows_v.at[pl.ds(j * GATHER_W, GATHER_W)],
                sem,
            ).wait()

    def reduce_half(rows_v, f, half_base):
        def body(i, carry2):
            b0 = i * 2
            r0 = b0 * HIST
            r1 = r0 + HIST
            acc0 = rows_v[r0, :]
            acc1 = rows_v[r1, :]
            for h in range(1, HIST):
                acc0 = acc0 + rows_v[r0 + h, :]
                acc1 = acc1 + rows_v[r1 + h, :]
            col = pl.ds(f * DIM, DIM)
            out_v[half_base + b0, col] = acc0 / 20.0
            out_v[half_base + b0 + 1, col] = acc1 / 20.0
            return carry2

        lax.fori_loop(0, HALF_B // 2, body, 0)

    stage_fire(0, 0, idx0, rows0, sem0)
    stage_fire(0, 1, idx1, rows1, sem1)

    def field_body(f, carry):
        drain(idx0, rows0, sem0)
        reduce_half(rows0, f, 0)

        @pl.when(f < N_FIELDS - 1)
        def _():
            stage_fire(f + 1, 0, idx0, rows0, sem0)

        drain(idx1, rows1, sem1)
        reduce_half(rows1, f, HALF_B)

        @pl.when(f < N_FIELDS - 1)
        def _():
            stage_fire(f + 1, 1, idx1, rows1, sem1)

        return carry

    lax.fori_loop(0, N_FIELDS, field_body, 0)
    pltpu.sync_copy(out_v, out_hbm.at[pl.ds(base, B_PER_W)])


@jax.jit
def _dense_features(indices, num_x, tables):
    idx32 = indices.astype(jnp.int32)
    offs = (jnp.arange(N_FIELDS, dtype=jnp.int32) * VOCAB)[:, None, None]
    gidx = (idx32 + offs).reshape(N_FIELDS * NUM_WORKERS, HIST, GATHER_W)
    tbl = tables.reshape(N_FIELDS * VOCAB, DIM)

    mesh = plsc.VectorSubcoreMesh(core_axis_name="c", subcore_axis_name="s")
    emb = pl.kernel(
        _sc_kernel,
        out_type=jax.ShapeDtypeStruct((BATCH, N_FIELDS * DIM), jnp.float32),
        mesh=mesh,
        scratch_types=[
            pltpu.VMEM((N_GATHERS, GATHER_W), jnp.int32),
            pltpu.VMEM((N_GATHERS, GATHER_W), jnp.int32),
            pltpu.VMEM((ROWS_PER_HALF, DIM), jnp.float32),
            pltpu.VMEM((ROWS_PER_HALF, DIM), jnp.float32),
            pltpu.VMEM((B_PER_W, N_FIELDS * DIM), jnp.float32),
            pltpu.SemaphoreType.DMA,
            pltpu.SemaphoreType.DMA,
        ],
        compiler_params=pltpu.CompilerParams(use_tc_tiling_on_sc=False),
    )(tbl, gidx)
    return jnp.concatenate([emb, num_x.astype(jnp.float32)], axis=1)


def kernel(indices, num_x, tables):
    return _dense_features(indices, num_x, tables)

# --- scband reference (transcript-rebuilt; emitter-appended) ---
"""Pipeline reference for scband-dense-features-23665269801381 (READ-ONLY COPY).

The authoritative reference and input builder live on the scoring server;
editing this copy changes nothing except your own understanding.
"""

import jax, jax.numpy as jnp
import numpy as np

N_FIELDS = 26
VOCAB = 100000
DIM = 16
BATCH = 4096
HIST = 20


def setup_inputs(seed: int = 0) -> dict:
    key = jax.random.key(seed)
    k1, k2, k3 = jax.random.split(key, 3)
    indices = jax.random.randint(k1, (N_FIELDS, BATCH, HIST), 0, VOCAB, dtype=jnp.int64 if jax.config.jax_enable_x64 else jnp.int32)
    num_x = jax.random.normal(k2, (BATCH, 1), dtype=jnp.float32)
    # one glorot-ish embedding table per categorical feature, stacked
    tables = jax.random.normal(k3, (N_FIELDS, VOCAB, DIM), dtype=jnp.float32) * 0.05
    return {"indices": indices, "num_x": num_x, "tables": tables}


def reference(indices, num_x, tables):
    # Faithful translation of DenseFeatures.call with 26 multi-hot embedding
    # columns (combiner='mean') followed by one numeric column (columns are
    # sorted by name: cat_0..cat_25 < num_0), aggregation='concat'.
    features = []
    for f in range(N_FIELDS):
        x = indices[f]                       # [B, HIST]
        emb = jnp.take(tables[f], x, axis=0)  # gather -> [B, HIST, DIM]
        mask_array = (x >= 0).astype(emb.dtype)  # [B, HIST]
        mask = mask_array[..., None]
        emb = emb * mask
        emb = jnp.sum(emb, axis=1)           # [B, DIM]
        # combiner == 'mean' -> divide_no_nan by row lengths
        row_lengths = jnp.sum(mask_array, axis=1)[:, None]  # [B, 1]
        safe = jnp.where(row_lengths > 0, row_lengths, 1.0)
        emb = jnp.where(row_lengths > 0, emb / safe, 0.0)
        features.append(emb)
    # numeric column (shape[0] == 1 path: passed through as-is)
    features.append(num_x)
    return jnp.concatenate(features, axis=1)  # [B, 26*16 + 1]

if __name__ == "__main__":
    import jax
    _d = setup_inputs()
    print(jax.jit(kernel)(*tuple(_d.values())))

</pallas_src>

<mosaic_0001>
#map = affine_map<(d0, d1) -> (0, 0)>
#map1 = affine_map<(d0, d1) -> (0, 0, 0)>
module attributes {stable_mosaic.version = 14 : i64} {
  func.func @_sc_kernel(%arg0: i32, %arg1: i32, %arg2: memref<2600000x16xf32, #tpu.memory_space<hbm>>, %arg3: memref<832x20x128xi32, #tpu.memory_space<hbm>>, %arg4: memref<4096x416xf32, #tpu.memory_space<hbm>>, %arg5: memref<10x128xi32, #tpu.memory_space<vmem>>, %arg6: memref<10x128xi32, #tpu.memory_space<vmem>>, %arg7: memref<1280x16xf32, #tpu.memory_space<vmem>>, %arg8: memref<1280x16xf32, #tpu.memory_space<vmem>>, %arg9: memref<128x416xf32, #tpu.memory_space<vmem>>, %arg10: memref<!tpu.dma_semaphore, #tpu.memory_space<semaphore_mem>>, %arg11: memref<!tpu.dma_semaphore, #tpu.memory_space<semaphore_mem>>) attributes {dimension_semantics = [#tpu.dimension_semantics<core_parallel>, #tpu.dimension_semantics<subcore_parallel>], iteration_bounds = array<i64: 2, 16>, scalar_prefetch = 0 : i64, scratch_operands = 7 : i64, tpu.core_type = #tpu.core_type<sc_vector_subcore>, window_params = [{transform_indices = #map}, {transform_indices = #map1}, {transform_indices = #map}]} {
    %mul3A = arith.constant 2 : i32
    %mul3A_0 = arith.muli %arg1, %mul3A : i32
    %add3A = arith.addi %mul3A_0, %arg0 : i32
    %mul3A_1 = arith.constant 128 : i32
    %mul3A_2 = arith.muli %add3A, %mul3A_1 : i32
    %add3A_3 = arith.constant 0 : i32
    %add3A_4 = arith.addi %add3A_3, %add3A : i32
    "tpu.region"() ({
      %run_scoped3A = tpu.sem_alloc : memref<!tpu.dma_semaphore, #tpu.memory_space<semaphore_mem>>
      %dma_start3A_211 = arith.constant 0 : i32
      %dma_start3A_212 = arith.constant 0 : i32
      %dma_start3A_213 = tpu.memref_slice %arg3[%add3A_4, %dma_start3A_211, %dma_start3A_212] : memref<832x20x128xi32, #tpu.memory_space<hbm>> -> memref<1x10x128xi32, #tpu.memory_space<hbm>>
      %dma_start3A_214 = tpu.memref_squeeze %dma_start3A_213 : memref<1x10x128xi32, #tpu.memory_space<hbm>> -> memref<10x128xi32, #tpu.memory_space<hbm>>
      %dma_start3A_215 = arith.constant 0 : i32
      %dma_start3A_216 = arith.constant 0 : i32
      %dma_start3A_217 = tpu.memref_slice %arg3[%add3A_4, %dma_start3A_215, %dma_start3A_216] : memref<832x20x128xi32, #tpu.memory_space<hbm>> -> memref<1x10x128xi32, #tpu.memory_space<hbm>>
      %dma_start3A_218 = tpu.memref_squeeze %dma_start3A_217 : memref<1x10x128xi32, #tpu.memory_space<hbm>> -> memref<10x128xi32, #tpu.memory_space<hbm>>
      tpu.enqueue_dma source(%dma_start3A_218 : memref<10x128xi32, #tpu.memory_space<hbm>>) target(%arg5 : memref<10x128xi32, #tpu.memory_space<vmem>>) target_semaphore(%run_scoped3A : memref<!tpu.dma_semaphore, #tpu.memory_space<semaphore_mem>>)
      %dma_wait3A = arith.constant 0 : i32
      %dma_wait3A_219 = arith.constant 0 : i32
      %dma_wait3A_220 = tpu.memref_slice %arg3[%add3A_4, %dma_wait3A, %dma_wait3A_219] : memref<832x20x128xi32, #tpu.memory_space<hbm>> -> memref<1x10x128xi32, #tpu.memory_space<hbm>>
      %dma_wait3A_221 = tpu.memref_squeeze %dma_wait3A_220 : memref<1x10x128xi32, #tpu.memory_space<hbm>> -> memref<10x128xi32, #tpu.memory_space<hbm>>
      %dma_wait3A_222 = arith.constant 0 : i32
      %dma_wait3A_223 = arith.constant 0 : i32
      %dma_wait3A_224 = tpu.memref_slice %arg3[%add3A_4, %dma_wait3A_222, %dma_wait3A_223] : memref<832x20x128xi32, #tpu.memory_space<hbm>> -> memref<1x10x128xi32, #tpu.memory_space<hbm>>
      %dma_wait3A_225 = tpu.memref_squeeze %dma_wait3A_224 : memref<1x10x128xi32, #tpu.memory_space<hbm>> -> memref<10x128xi32, #tpu.memory_space<hbm>>
      tpu.wait_dma2 semaphore(%run_scoped3A : memref<!tpu.dma_semaphore, #tpu.memory_space<semaphore_mem>>) src(%dma_wait3A_225 : memref<10x128xi32, #tpu.memory_space<hbm>>) dst(%arg5 : memref<10x128xi32, #tpu.memory_space<vmem>>)
      tpu.yield
    }) : () -> ()
    %dma_start3A = arith.constant 0 : i32
    %dma_start3A_5 = arith.constant 0 : i32
    %dma_start3A_6 = arith.constant 0 : i32
    %dma_start3A_7 = tpu.memref_slice %arg7[%dma_start3A_5, %dma_start3A_6] : memref<1280x16xf32, #tpu.memory_space<vmem>> -> memref<128x16xf32, #tpu.memory_space<vmem>>
    %dma_start3A_8 = arith.constant 0 : i32
    %dma_start3A_9 = tpu.memref_slice %arg5[%dma_start3A, %dma_start3A_8] : memref<10x128xi32, #tpu.memory_space<vmem>> -> memref<1x128xi32, #tpu.memory_space<vmem>>
    %dma_start3A_10 = tpu.memref_squeeze %dma_start3A_9 : memref<1x128xi32, #tpu.memory_space<vmem>> -> memref<128xi32, #tpu.memory_space<vmem>>
    %dma_start3A_11 = arith.constant 0 : i32
    %dma_start3A_12 = arith.constant 0 : i32
    %dma_start3A_13 = tpu.memref_slice %arg2[%dma_start3A_11, %dma_start3A_12] : memref<2600000x16xf32, #tpu.memory_space<hbm>> -> memref<2600000x16xf32, #tpu.memory_space<hbm>>
    tpu.enqueue_indirect_dma source(%dma_start3A_13 : memref<2600000x16xf32, #tpu.memory_space<hbm>>) target(%dma_start3A_7 : memref<128x16xf32, #tpu.memory_space<vmem>>) offsets(%dma_start3A_10 : memref<128xi32, #tpu.memory_space<vmem>>) semaphore(%arg10 : memref<!tpu.dma_semaphore, #tpu.memory_space<semaphore_mem>>)
    %dma_start3A_14 = arith.constant 1 : i32
    %dma_start3A_15 = arith.constant 128 : i32
    %dma_start3A_16 = arith.constant 0 : i32
    %dma_start3A_17 = tpu.memref_slice %arg7[%dma_start3A_15, %dma_start3A_16] : memref<1280x16xf32, #tpu.memory_space<vmem>> -> memref<128x16xf32, #tpu.memory_space<vmem>>
    %dma_start3A_18 = arith.constant 0 : i32
    %dma_start3A_19 = tpu.memref_slice %arg5[%dma_start3A_14, %dma_start3A_18] : memref<10x128xi32, #tpu.memory_space<vmem>> -> memref<1x128xi32, #tpu.memory_space<vmem>>
    %dma_start3A_20 = tpu.memref_squeeze %dma_start3A_19 : memref<1x128xi32, #tpu.memory_space<vmem>> -> memref<128xi32, #tpu.memory_space<vmem>>
    %dma_start3A_21 = arith.constant 0 : i32
    %dma_start3A_22 = arith.constant 0 : i32
    %dma_start3A_23 = tpu.memref_slice %arg2[%dma_start3A_21, %dma_start3A_22] : memref<2600000x16xf32, #tpu.memory_space<hbm>> -> memref<2600000x16xf32, #tpu.memory_space<hbm>>
    tpu.enqueue_indirect_dma source(%dma_start3A_23 : memref<2600000x16xf32, #tpu.memory_space<hbm>>) target(%dma_start3A_17 : memref<128x16xf32, #tpu.memory_space<vmem>>) offsets(%dma_start3A_20 : memref<128xi32, #tpu.memory_space<vmem>>) semaphore(%arg10 : memref<!tpu.dma_semaphore, #tpu.memory_space<semaphore_mem>>)
    %dma_start3A_24 = arith.constant 2 : i32
    %dma_start3A_25 = arith.constant 256 : i32
    %dma_start3A_26 = arith.constant 0 : i32
    %dma_start3A_27 = tpu.memref_slice %arg7[%dma_start3A_25, %dma_start3A_26] : memref<1280x16xf32, #tpu.memory_space<vmem>> -> memref<128x16xf32, #tpu.memory_space<vmem>>
    %dma_start3A_28 = arith.constant 0 : i32
    %dma_start3A_29 = tpu.memref_slice %arg5[%dma_start3A_24, %dma_start3A_28] : memref<10x128xi32, #tpu.memory_space<vmem>> -> memref<1x128xi32, #tpu.memory_space<vmem>>
    %dma_start3A_30 = tpu.memref_squeeze %dma_start3A_29 : memref<1x128xi32, #tpu.memory_space<vmem>> -> memref<128xi32, #tpu.memory_space<vmem>>
    %dma_start3A_31 = arith.constant 0 : i32
    %dma_start3A_32 = arith.constant 0 : i32
    %dma_start3A_33 = tpu.memref_slice %arg2[%dma_start3A_31, %dma_start3A_32] : memref<2600000x16xf32, #tpu.memory_space<hbm>> -> memref<2600000x16xf32, #tpu.memory_space<hbm>>
    tpu.enqueue_indirect_dma source(%dma_start3A_33 : memref<2600000x16xf32, #tpu.memory_space<hbm>>) target(%dma_start3A_27 : memref<128x16xf32, #tpu.memory_space<vmem>>) offsets(%dma_start3A_30 : memref<128xi32, #tpu.memory_space<vmem>>) semaphore(%arg10 : memref<!tpu.dma_semaphore, #tpu.memory_space<semaphore_mem>>)
    %dma_start3A_34 = arith.constant 3 : i32
    %dma_start3A_35 = arith.constant 384 : i32
    %dma_start3A_36 = arith.constant 0 : i32
    %dma_start3A_37 = tpu.memref_slice %arg7[%dma_start3A_35, %dma_start3A_36] : memref<1280x16xf32, #tpu.memory_space<vmem>> -> memref<128x16xf32, #tpu.memory_space<vmem>>
    %dma_start3A_38 = arith.constant 0 : i32
    %dma_start3A_39 = tpu.memref_slice %arg5[%dma_start3A_34, %dma_start3A_38] : memref<10x128xi32, #tpu.memory_space<vmem>> -> memref<1x128xi32, #tpu.memory_space<vmem>>
    %dma_start3A_40 = tpu.memref_squeeze %dma_start3A_39 : memref<1x128xi32, #tpu.memory_space<vmem>> -> memref<128xi32, #tpu.memory_space<vmem>>
    %dma_start3A_41 = arith.constant 0 : i32
    %dma_start3A_42 = arith.constant 0 : i32
    %dma_start3A_43 = tpu.memref_slice %arg2[%dma_start3A_41, %dma_start3A_42] : memref<2600000x16xf32, #tpu.memory_space<hbm>> -> memref<2600000x16xf32, #tpu.memory_space<hbm>>
    tpu.enqueue_indirect_dma source(%dma_start3A_43 : memref<2600000x16xf32, #tpu.memory_space<hbm>>) target(%dma_start3A_37 : memref<128x16xf32, #tpu.memory_space<vmem>>) offsets(%dma_start3A_40 : memref<128xi32, #tpu.memory_space<vmem>>) semaphore(%arg10 : memref<!tpu.dma_semaphore, #tpu.memory_space<semaphore_mem>>)
    %dma_start3A_44 = arith.constant 4 : i32
    %dma_start3A_45 = arith.constant 512 : i32
    %dma_start3A_46 = arith.constant 0 : i32
    %dma_start3A_47 = tpu.memref_slice %arg7[%dma_start3A_45, %dma_start3A_46] : memref<1280x16xf32, #tpu.memory_space<vmem>> -> memref<128x16xf32, #tpu.memory_space<vmem>>
    %dma_start3A_48 = arith.constant 0 : i32
    %dma_start3A_49 = tpu.memref_slice %arg5[%dma_start3A_44, %dma_start3A_48] : memref<10x128xi32, #tpu.memory_space<vmem>> -> memref<1x128xi32, #tpu.memory_space<vmem>>
    %dma_start3A_50 = tpu.memref_squeeze %dma_start3A_49 : memref<1x128xi32, #tpu.memory_space<vmem>> -> memref<128xi32, #tpu.memory_space<vmem>>
    %dma_start3A_51 = arith.constant 0 : i32
    %dma_start3A_52 = arith.constant 0 : i32
    %dma_start3A_53 = tpu.memref_slice %arg2[%dma_start3A_51, %dma_start3A_52] : memref<2600000x16xf32, #tpu.memory_space<hbm>> -> memref<2600000x16xf32, #tpu.memory_space<hbm>>
    tpu.enqueue_indirect_dma source(%dma_start3A_53 : memref<2600000x16xf32, #tpu.memory_space<hbm>>) target(%dma_start3A_47 : memref<128x16xf32, #tpu.memory_space<vmem>>) offsets(%dma_start3A_50 : memref<128xi32, #tpu.memory_space<vmem>>) semaphore(%arg10 : memref<!tpu.dma_semaphore, #tpu.memory_space<semaphore_mem>>)
    %dma_start3A_54 = arith.constant 5 : i32
    %dma_start3A_55 = arith.constant 640 : i32
    %dma_start3A_56 = arith.constant 0 : i32
    %dma_start3A_57 = tpu.memref_slice %arg7[%dma_start3A_55, %dma_start3A_56] : memref<1280x16xf32, #tpu.memory_space<vmem>> -> memref<128x16xf32, #tpu.memory_space<vmem>>
    %dma_start3A_58 = arith.constant 0 : i32
    %dma_start3A_59 = tpu.memref_slice %arg5[%dma_start3A_54, %dma_start3A_58] : memref<10x128xi32, #tpu.memory_space<vmem>> -> memref<1x128xi32, #tpu.memory_space<vmem>>
    %dma_start3A_60 = tpu.memref_squeeze %dma_start3A_59 : memref<1x128xi32, #tpu.memory_space<vmem>> -> memref<128xi32, #tpu.memory_space<vmem>>
    %dma_start3A_61 = arith.constant 0 : i32
    %dma_start3A_62 = arith.constant 0 : i32
    %dma_start3A_63 = tpu.memref_slice %arg2[%dma_start3A_61, %dma_start3A_62] : memref<2600000x16xf32, #tpu.memory_space<hbm>> -> memref<2600000x16xf32, #tpu.memory_space<hbm>>
    tpu.enqueue_indirect_dma source(%dma_start3A_63 : memref<2600000x16xf32, #tpu.memory_space<hbm>>) target(%dma_start3A_57 : memref<128x16xf32, #tpu.memory_space<vmem>>) offsets(%dma_start3A_60 : memref<128xi32, #tpu.memory_space<vmem>>) semaphore(%arg10 : memref<!tpu.dma_semaphore, #tpu.memory_space<semaphore_mem>>)
    %dma_start3A_64 = arith.constant 6 : i32
    %dma_start3A_65 = arith.constant 768 : i32
    %dma_start3A_66 = arith.constant 0 : i32
    %dma_start3A_67 = tpu.memref_slice %arg7[%dma_start3A_65, %dma_start3A_66] : memref<1280x16xf32, #tpu.memory_space<vmem>> -> memref<128x16xf32, #tpu.memory_space<vmem>>
    %dma_start3A_68 = arith.constant 0 : i32
    %dma_start3A_69 = tpu.memref_slice %arg5[%dma_start3A_64, %dma_start3A_68] : memref<10x128xi32, #tpu.memory_space<vmem>> -> memref<1x128xi32, #tpu.memory_space<vmem>>
    %dma_start3A_70 = tpu.memref_squeeze %dma_start3A_69 : memref<1x128xi32, #tpu.memory_space<vmem>> -> memref<128xi32, #tpu.memory_space<vmem>>
    %dma_start3A_71 = arith.constant 0 : i32
    %dma_start3A_72 = arith.constant 0 : i32
    %dma_start3A_73 = tpu.memref_slice %arg2[%dma_start3A_71, %dma_start3A_72] : memref<2600000x16xf32, #tpu.memory_space<hbm>> -> memref<2600000x16xf32, #tpu.memory_space<hbm>>
    tpu.enqueue_indirect_dma source(%dma_start3A_73 : memref<2600000x16xf32, #tpu.memory_space<hbm>>) target(%dma_start3A_67 : memref<128x16xf32, #tpu.memory_space<vmem>>) offsets(%dma_start3A_70 : memref<128xi32, #tpu.memory_space<vmem>>) semaphore(%arg10 : memref<!tpu.dma_semaphore, #tpu.memory_space<semaphore_mem>>)
    %dma_start3A_74 = arith.constant 7 : i32
    %dma_start3A_75 = arith.constant 896 : i32
    %dma_start3A_76 = arith.constant 0 : i32
    %dma_start3A_77 = tpu.memref_slice %arg7[%dma_start3A_75, %dma_start3A_76] : memref<1280x16xf32, #tpu.memory_space<vmem>> -> memref<128x16xf32, #tpu.memory_space<vmem>>
    %dma_start3A_78 = arith.constant 0 : i32
    %dma_start3A_79 = tpu.memref_slice %arg5[%dma_start3A_74, %dma_start3A_78] : memref<10x128xi32, #tpu.memory_space<vmem>> -> memref<1x128xi32, #tpu.memory_space<vmem>>
    %dma_start3A_80 = tpu.memref_squeeze %dma_start3A_79 : memref<1x128xi32, #tpu.memory_space<vmem>> -> memref<128xi32, #tpu.memory_space<vmem>>
    %dma_start3A_81 = arith.constant 0 : i32
    %dma_start3A_82 = arith.constant 0 : i32
    %dma_start3A_83 = tpu.memref_slice %arg2[%dma_start3A_81, %dma_start3A_82] : memref<2600000x16xf32, #tpu.memory_space<hbm>> -> memref<2600000x16xf32, #tpu.memory_space<hbm>>
    tpu.enqueue_indirect_dma source(%dma_start3A_83 : memref<2600000x16xf32, #tpu.memory_space<hbm>>) target(%dma_start3A_77 : memref<128x16xf32, #tpu.memory_space<vmem>>) offsets(%dma_start3A_80 : memref<128xi32, #tpu.memory_space<vmem>>) semaphore(%arg10 : memref<!tpu.dma_semaphore, #tpu.memory_space<semaphore_mem>>)
    %dma_start3A_84 = arith.constant 8 : i32
    %dma_start3A_85 = arith.constant 1024 : i32
    %dma_start3A_86 = arith.constant 0 : i32
    %dma_start3A_87 = tpu.memref_slice %arg7[%dma_start3A_85, %dma_start3A_86] : memref<1280x16xf32, #tpu.memory_space<vmem>> -> memref<128x16xf32, #tpu.memory_space<vmem>>
    %dma_start3A_88 = arith.constant 0 : i32
    %dma_start3A_89 = tpu.memref_slice %arg5[%dma_start3A_84, %dma_start3A_88] : memref<10x128xi32, #tpu.memory_space<vmem>> -> memref<1x128xi32, #tpu.memory_space<vmem>>
    %dma_start3A_90 = tpu.memref_squeeze %dma_start3A_89 : memref<1x128xi32, #tpu.memory_space<vmem>> -> memref<128xi32, #tpu.memory_space<vmem>>
    %dma_start3A_91 = arith.constant 0 : i32
    %dma_start3A_92 = arith.constant 0 : i32
    %dma_start3A_93 = tpu.memref_slice %arg2[%dma_start3A_91, %dma_start3A_92] : memref<2600000x16xf32, #tpu.memory_space<hbm>> -> memref<2600000x16xf32, #tpu.memory_space<hbm>>
    tpu.enqueue_indirect_dma source(%dma_start3A_93 : memref<2600000x16xf32, #tpu.memory_space<hbm>>) target(%dma_start3A_87 : memref<128x16xf32, #tpu.memory_space<vmem>>) offsets(%dma_start3A_90 : memref<128xi32, #tpu.memory_space<vmem>>) semaphore(%arg10 : memref<!tpu.dma_semaphore, #tpu.memory_space<semaphore_mem>>)
    %dma_start3A_94 = arith.constant 9 : i32
    %dma_start3A_95 = arith.constant 1152 : i32
    %dma_start3A_96 = arith.constant 0 : i32
    %dma_start3A_97 = tpu.memref_slice %arg7[%dma_start3A_95, %dma_start3A_96] : memref<1280x16xf32, #tpu.memory_space<vmem>> -> memref<128x16xf32, #tpu.memory_space<vmem>>
    %dma_start3A_98 = arith.constant 0 : i32
    %dma_start3A_99 = tpu.memref_slice %arg5[%dma_start3A_94, %dma_start3A_98] : memref<10x128xi32, #tpu.memory_space<vmem>> -> memref<1x128xi32, #tpu.memory_space<vmem>>
    %dma_start3A_100 = tpu.memref_squeeze %dma_start3A_99 : memref<1x128xi32, #tpu.memory_space<vmem>> -> memref<128xi32, #tpu.memory_space<vmem>>
    %dma_start3A_101 = arith.constant 0 : i32
    %dma_start3A_102 = arith.constant 0 : i32
    %dma_start3A_103 = tpu.memref_slice %arg2[%dma_start3A_101, %dma_start3A_102] : memref<2600000x16xf32, #tpu.memory_space<hbm>> -> memref<2600000x16xf32, #tpu.memory_space<hbm>>
    tpu.enqueue_indirect_dma source(%dma_start3A_103 : memref<2600000x16xf32, #tpu.memory_space<hbm>>) target(%dma_start3A_97 : memref<128x16xf32, #tpu.memory_space<vmem>>) offsets(%dma_start3A_100 : memref<128xi32, #tpu.memory_space<vmem>>) semaphore(%arg10 : memref<!tpu.dma_semaphore, #tpu.memory_space<semaphore_mem>>)
    %add3A_104 = arith.constant 0 : i32
    %add3A_105 = arith.addi %add3A_104, %add3A : i32
    "tpu.region"() ({
      %run_scoped3A = tpu.sem_alloc : memref<!tpu.dma_semaphore, #tpu.memory_space<semaphore_mem>>
      %dma_start3A_211 = arith.constant 10 : i32
      %dma_start3A_212 = arith.constant 0 : i32
      %dma_start3A_213 = tpu.memref_slice %arg3[%add3A_105, %dma_start3A_211, %dma_start3A_212] : memref<832x20x128xi32, #tpu.memory_space<hbm>> -> memref<1x10x128xi32, #tpu.memory_space<hbm>>
      %dma_start3A_214 = tpu.memref_squeeze %dma_start3A_213 : memref<1x10x128xi32, #tpu.memory_space<hbm>> -> memref<10x128xi32, #tpu.memory_space<hbm>>
      %dma_start3A_215 = arith.constant 10 : i32
      %dma_start3A_216 = arith.constant 0 : i32
      %dma_start3A_217 = tpu.memref_slice %arg3[%add3A_105, %dma_start3A_215, %dma_start3A_216] : memref<832x20x128xi32, #tpu.memory_space<hbm>> -> memref<1x10x128xi32, #tpu.memory_space<hbm>>
      %dma_start3A_218 = tpu.memref_squeeze %dma_start3A_217 : memref<1x10x128xi32, #tpu.memory_space<hbm>> -> memref<10x128xi32, #tpu.memory_space<hbm>>
      tpu.enqueue_dma source(%dma_start3A_218 : memref<10x128xi32, #tpu.memory_space<hbm>>) target(%arg6 : memref<10x128xi32, #tpu.memory_space<vmem>>) target_semaphore(%run_scoped3A : memref<!tpu.dma_semaphore, #tpu.memory_space<semaphore_mem>>)
      %dma_wait3A = arith.constant 10 : i32
      %dma_wait3A_219 = arith.constant 0 : i32
      %dma_wait3A_220 = tpu.memref_slice %arg3[%add3A_105, %dma_wait3A, %dma_wait3A_219] : memref<832x20x128xi32, #tpu.memory_space<hbm>> -> memref<1x10x128xi32, #tpu.memory_space<hbm>>
      %dma_wait3A_221 = tpu.memref_squeeze %dma_wait3A_220 : memref<1x10x128xi32, #tpu.memory_space<hbm>> -> memref<10x128xi32, #tpu.memory_space<hbm>>
      %dma_wait3A_222 = arith.constant 10 : i32
      %dma_wait3A_223 = arith.constant 0 : i32
      %dma_wait3A_224 = tpu.memref_slice %arg3[%add3A_105, %dma_wait3A_222, %dma_wait3A_223] : memref<832x20x128xi32, #tpu.memory_space<hbm>> -> memref<1x10x128xi32, #tpu.memory_space<hbm>>
      %dma_wait3A_225 = tpu.memref_squeeze %dma_wait3A_224 : memref<1x10x128xi32, #tpu.memory_space<hbm>> -> memref<10x128xi32, #tpu.memory_space<hbm>>
      tpu.wait_dma2 semaphore(%run_scoped3A : memref<!tpu.dma_semaphore, #tpu.memory_space<semaphore_mem>>) src(%dma_wait3A_225 : memref<10x128xi32, #tpu.memory_space<hbm>>) dst(%arg6 : memref<10x128xi32, #tpu.memory_space<vmem>>)
      tpu.yield
    }) : () -> ()
    %dma_start3A_106 = arith.constant 0 : i32
    %dma_start3A_107 = arith.constant 0 : i32
    %dma_start3A_108 = arith.constant 0 : i32
    %dma_start3A_109 = tpu.memref_slice %arg8[%dma_start3A_107, %dma_start3A_108] : memref<1280x16xf32, #tpu.memory_space<vmem>> -> memref<128x16xf32, #tpu.memory_space<vmem>>
    %dma_start3A_110 = arith.constant 0 : i32
    %dma_start3A_111 = tpu.memref_slice %arg6[%dma_start3A_106, %dma_start3A_110] : memref<10x128xi32, #tpu.memory_space<vmem>> -> memref<1x128xi32, #tpu.memory_space<vmem>>
    %dma_start3A_112 = tpu.memref_squeeze %dma_start3A_111 : memref<1x128xi32, #tpu.memory_space<vmem>> -> memref<128xi32, #tpu.memory_space<vmem>>
    %dma_start3A_113 = arith.constant 0 : i32
    %dma_start3A_114 = arith.constant 0 : i32
    %dma_start3A_115 = tpu.memref_slice %arg2[%dma_start3A_113, %dma_start3A_114] : memref<2600000x16xf32, #tpu.memory_space<hbm>> -> memref<2600000x16xf32, #tpu.memory_space<hbm>>
    tpu.enqueue_indirect_dma source(%dma_start3A_115 : memref<2600000x16xf32, #tpu.memory_space<hbm>>) target(%dma_start3A_109 : memref<128x16xf32, #tpu.memory_space<vmem>>) offsets(%dma_start3A_112 : memref<128xi32, #tpu.memory_space<vmem>>) semaphore(%arg11 : memref<!tpu.dma_semaphore, #tpu.memory_space<semaphore_mem>>)
    %dma_start3A_116 = arith.constant 1 : i32
    %dma_start3A_117 = arith.constant 128 : i32
    %dma_start3A_118 = arith.constant 0 : i32
    %dma_start3A_119 = tpu.memref_slice %arg8[%dma_start3A_117, %dma_start3A_118] : memref<1280x16xf32, #tpu.memory_space<vmem>> -> memref<128x16xf32, #tpu.memory_space<vmem>>
    %dma_start3A_120 = arith.constant 0 : i32
    %dma_start3A_121 = tpu.memref_slice %arg6[%dma_start3A_116, %dma_start3A_120] : memref<10x128xi32, #tpu.memory_space<vmem>> -> memref<1x128xi32, #tpu.memory_space<vmem>>
    %dma_start3A_122 = tpu.memref_squeeze %dma_start3A_121 : memref<1x128xi32, #tpu.memory_space<vmem>> -> memref<128xi32, #tpu.memory_space<vmem>>
    %dma_start3A_123 = arith.constant 0 : i32
    %dma_start3A_124 = arith.constant 0 : i32
    %dma_start3A_125 = tpu.memref_slice %arg2[%dma_start3A_123, %dma_start3A_124] : memref<2600000x16xf32, #tpu.memory_space<hbm>> -> memref<2600000x16xf32, #tpu.memory_space<hbm>>
    tpu.enqueue_indirect_dma source(%dma_start3A_125 : memref<2600000x16xf32, #tpu.memory_space<hbm>>) target(%dma_start3A_119 : memref<128x16xf32, #tpu.memory_space<vmem>>) offsets(%dma_start3A_122 : memref<128xi32, #tpu.memory_space<vmem>>) semaphore(%arg11 : memref<!tpu.dma_semaphore, #tpu.memory_space<semaphore_mem>>)
    %dma_start3A_126 = arith.constant 2 : i32
    %dma_start3A_127 = arith.constant 256 : i32
    %dma_start3A_128 = arith.constant 0 : i32
    %dma_start3A_129 = tpu.memref_slice %arg8[%dma_start3A_127, %dma_start3A_128] : memref<1280x16xf32, #tpu.memory_space<vmem>> -> memref<128x16xf32, #tpu.memory_space<vmem>>
    %dma_start3A_130 = arith.constant 0 : i32
    %dma_start3A_131 = tpu.memref_slice %arg6[%dma_start3A_126, %dma_start3A_130] : memref<10x128xi32, #tpu.memory_space<vmem>> -> memref<1x128xi32, #tpu.memory_space<vmem>>
    %dma_start3A_132 = tpu.memref_squeeze %dma_start3A_131 : memref<1x128xi32, #tpu.memory_space<vmem>> -> memref<128xi32, #tpu.memory_space<vmem>>
    %dma_start3A_133 = arith.constant 0 : i32
    %dma_start3A_134 = arith.constant 0 : i32
    %dma_start3A_135 = tpu.memref_slice %arg2[%dma_start3A_133, %dma_start3A_134] : memref<2600000x16xf32, #tpu.memory_space<hbm>> -> memref<2600000x16xf32, #tpu.memory_space<hbm>>
    tpu.enqueue_indirect_dma source(%dma_start3A_135 : memref<2600000x16xf32, #tpu.memory_space<hbm>>) target(%dma_start3A_129 : memref<128x16xf32, #tpu.memory_space<vmem>>) offsets(%dma_start3A_132 : memref<128xi32, #tpu.memory_space<vmem>>) semaphore(%arg11 : memref<!tpu.dma_semaphore, #tpu.memory_space<semaphore_mem>>)
    %dma_start3A_136 = arith.constant 3 : i32
    %dma_start3A_137 = arith.constant 384 : i32
    %dma_start3A_138 = arith.constant 0 : i32
    %dma_start3A_139 = tpu.memref_slice %arg8[%dma_start3A_137, %dma_start3A_138] : memref<1280x16xf32, #tpu.memory_space<vmem>> -> memref<128x16xf32, #tpu.memory_space<vmem>>
    %dma_start3A_140 = arith.constant 0 : i32
    %dma_start3A_141 = tpu.memref_slice %arg6[%dma_start3A_136, %dma_start3A_140] : memref<10x128xi32, #tpu.memory_space<vmem>> -> memref<1x128xi32, #tpu.memory_space<vmem>>
    %dma_start3A_142 = tpu.memref_squeeze %dma_start3A_141 : memref<1x128xi32, #tpu.memory_space<vmem>> -> memref<128xi32, #tpu.memory_space<vmem>>
    %dma_start3A_143 = arith.constant 0 : i32
    %dma_start3A_144 = arith.constant 0 : i32
    %dma_start3A_145 = tpu.memref_slice %arg2[%dma_start3A_143, %dma_start3A_144] : memref<2600000x16xf32, #tpu.memory_space<hbm>> -> memref<2600000x16xf32, #tpu.memory_space<hbm>>
    tpu.enqueue_indirect_dma source(%dma_start3A_145 : memref<2600000x16xf32, #tpu.memory_space<hbm>>) target(%dma_start3A_139 : memref<128x16xf32, #tpu.memory_space<vmem>>) offsets(%dma_start3A_142 : memref<128xi32, #tpu.memory_space<vmem>>) semaphore(%arg11 : memref<!tpu.dma_semaphore, #tpu.memory_space<semaphore_mem>>)
    %dma_start3A_146 = arith.constant 4 : i32
    %dma_start3A_147 = arith.constant 512 : i32
    %dma_start3A_148 = arith.constant 0 : i32
    %dma_start3A_149 = tpu.memref_slice %arg8[%dma_start3A_147, %dma_start3A_148] : memref<1280x16xf32, #tpu.memory_space<vmem>> -> memref<128x16xf32, #tpu.memory_space<vmem>>
    %dma_start3A_150 = arith.constant 0 : i32
    %dma_start3A_151 = tpu.memref_slice %arg6[%dma_start3A_146, %dma_start3A_150] : memref<10x128xi32, #tpu.memory_space<vmem>> -> memref<1x128xi32, #tpu.memory_space<vmem>>
    %dma_start3A_152 = tpu.memref_squeeze %dma_start3A_151 : memref<1x128xi32, #tpu.memory_space<vmem>> -> memref<128xi32, #tpu.memory_space<vmem>>
    %dma_start3A_153 = arith.constant 0 : i32
    %dma_start3A_154 = arith.constant 0 : i32
    %dma_start3A_155 = tpu.memref_slice %arg2[%dma_start3A_153, %dma_start3A_154] : memref<2600000x16xf32, #tpu.memory_space<hbm>> -> memref<2600000x16xf32, #tpu.memory_space<hbm>>
    tpu.enqueue_indirect_dma source(%dma_start3A_155 : memref<2600000x16xf32, #tpu.memory_space<hbm>>) target(%dma_start3A_149 : memref<128x16xf32, #tpu.memory_space<vmem>>) offsets(%dma_start3A_152 : memref<128xi32, #tpu.memory_space<vmem>>) semaphore(%arg11 : memref<!tpu.dma_semaphore, #tpu.memory_space<semaphore_mem>>)
    %dma_start3A_156 = arith.constant 5 : i32
    %dma_start3A_157 = arith.constant 640 : i32
    %dma_start3A_158 = arith.constant 0 : i32
    %dma_start3A_159 = tpu.memref_slice %arg8[%dma_start3A_157, %dma_start3A_158] : memref<1280x16xf32, #tpu.memory_space<vmem>> -> memref<128x16xf32, #tpu.memory_space<vmem>>
    %dma_start3A_160 = arith.constant 0 : i32
    %dma_start3A_161 = tpu.memref_slice %arg6[%dma_start3A_156, %dma_start3A_160] : memref<10x128xi32, #tpu.memory_space<vmem>> -> memref<1x128xi32, #tpu.memory_space<vmem>>
    %dma_start3A_162 = tpu.memref_squeeze %dma_start3A_161 : memref<1x128xi32, #tpu.memory_space<vmem>> -> memref<128xi32, #tpu.memory_space<vmem>>
    %dma_start3A_163 = arith.constant 0 : i32
    %dma_start3A_164 = arith.constant 0 : i32
    %dma_start3A_165 = tpu.memref_slice %arg2[%dma_start3A_163, %dma_start3A_164] : memref<2600000x16xf32, #tpu.memory_space<hbm>> -> memref<2600000x16xf32, #tpu.memory_space<hbm>>
    tpu.enqueue_indirect_dma source(%dma_start3A_165 : memref<2600000x16xf32, #tpu.memory_space<hbm>>) target(%dma_start3A_159 : memref<128x16xf32, #tpu.memory_space<vmem>>) offsets(%dma_start3A_162 : memref<128xi32, #tpu.memory_space<vmem>>) semaphore(%arg11 : memref<!tpu.dma_semaphore, #tpu.memory_space<semaphore_mem>>)
    %dma_start3A_166 = arith.constant 6 : i32
    %dma_start3A_167 = arith.constant 768 : i32
    %dma_start3A_168 = arith.constant 0 : i32
    %dma_start3A_169 = tpu.memref_slice %arg8[%dma_start3A_167, %dma_start3A_168] : memref<1280x16xf32, #tpu.memory_space<vmem>> -> memref<128x16xf32, #tpu.memory_space<vmem>>
    %dma_start3A_170 = arith.constant 0 : i32
    %dma_start3A_171 = tpu.memref_slice %arg6[%dma_start3A_166, %dma_start3A_170] : memref<10x128xi32, #tpu.memory_space<vmem>> -> memref<1x128xi32, #tpu.memory_space<vmem>>
    %dma_start3A_172 = tpu.memref_squeeze %dma_start3A_171 : memref<1x128xi32, #tpu.memory_space<vmem>> -> memref<128xi32, #tpu.memory_space<vmem>>
    %dma_start3A_173 = arith.constant 0 : i32
    %dma_start3A_174 = arith.constant 0 : i32
    %dma_start3A_175 = tpu.memref_slice %arg2[%dma_start3A_173, %dma_start3A_174] : memref<2600000x16xf32, #tpu.memory_space<hbm>> -> memref<2600000x16xf32, #tpu.memory_space<hbm>>
    tpu.enqueue_indirect_dma source(%dma_start3A_175 : memref<2600000x16xf32, #tpu.memory_space<hbm>>) target(%dma_start3A_169 : memref<128x16xf32, #tpu.memory_space<vmem>>) offsets(%dma_start3A_172 : memref<128xi32, #tpu.memory_space<vmem>>) semaphore(%arg11 : memref<!tpu.dma_semaphore, #tpu.memory_space<semaphore_mem>>)
    %dma_start3A_176 = arith.constant 7 : i32
    %dma_start3A_177 = arith.constant 896 : i32
    %dma_start3A_178 = arith.constant 0 : i32
    %dma_start3A_179 = tpu.memref_slice %arg8[%dma_start3A_177, %dma_start3A_178] : memref<1280x16xf32, #tpu.memory_space<vmem>> -> memref<128x16xf32, #tpu.memory_space<vmem>>
    %dma_start3A_180 = arith.constant 0 : i32
    %dma_start3A_181 = tpu.memref_slice %arg6[%dma_start3A_176, %dma_start3A_180] : memref<10x128xi32, #tpu.memory_space<vmem>> -> memref<1x128xi32, #tpu.memory_space<vmem>>
    %dma_start3A_182 = tpu.memref_squeeze %dma_start3A_181 : memref<1x128xi32, #tpu.memory_space<vmem>> -> memref<128xi32, #tpu.memory_space<vmem>>
    %dma_start3A_183 = arith.constant 0 : i32
    %dma_start3A_184 = arith.constant 0 : i32
    %dma_start3A_185 = tpu.memref_slice %arg2[%dma_start3A_183, %dma_start3A_184] : memref<2600000x16xf32, #tpu.memory_space<hbm>> -> memref<2600000x16xf32, #tpu.memory_space<hbm>>
    tpu.enqueue_indirect_dma source(%dma_start3A_185 : memref<2600000x16xf32, #tpu.memory_space<hbm>>) target(%dma_start3A_179 : memref<128x16xf32, #tpu.memory_space<vmem>>) offsets(%dma_start3A_182 : memref<128xi32, #tpu.memory_space<vmem>>) semaphore(%arg11 : memref<!tpu.dma_semaphore, #tpu.memory_space<semaphore_mem>>)
    %dma_start3A_186 = arith.constant 8 : i32
    %dma_start3A_187 = arith.constant 1024 : i32
    %dma_start3A_188 = arith.constant 0 : i32
    %dma_start3A_189 = tpu.memref_slice %arg8[%dma_start3A_187, %dma_start3A_188] : memref<1280x16xf32, #tpu.memory_space<vmem>> -> memref<128x16xf32, #tpu.memory_space<vmem>>
    %dma_start3A_190 = arith.constant 0 : i32
    %dma_start3A_191 = tpu.memref_slice %arg6[%dma_start3A_186, %dma_start3A_190] : memref<10x128xi32, #tpu.memory_space<vmem>> -> memref<1x128xi32, #tpu.memory_space<vmem>>
    %dma_start3A_192 = tpu.memref_squeeze %dma_start3A_191 : memref<1x128xi32, #tpu.memory_space<vmem>> -> memref<128xi32, #tpu.memory_space<vmem>>
    %dma_start3A_193 = arith.constant 0 : i32
    %dma_start3A_194 = arith.constant 0 : i32
    %dma_start3A_195 = tpu.memref_slice %arg2[%dma_start3A_193, %dma_start3A_194] : memref<2600000x16xf32, #tpu.memory_space<hbm>> -> memref<2600000x16xf32, #tpu.memory_space<hbm>>
    tpu.enqueue_indirect_dma source(%dma_start3A_195 : memref<2600000x16xf32, #tpu.memory_space<hbm>>) target(%dma_start3A_189 : memref<128x16xf32, #tpu.memory_space<vmem>>) offsets(%dma_start3A_192 : memref<128xi32, #tpu.memory_space<vmem>>) semaphore(%arg11 : memref<!tpu.dma_semaphore, #tpu.memory_space<semaphore_mem>>)
    %dma_start3A_196 = arith.constant 9 : i32
    %dma_start3A_197 = arith.constant 1152 : i32
    %dma_start3A_198 = arith.constant 0 : i32
    %dma_start3A_199 = tpu.memref_slice %arg8[%dma_start3A_197, %dma_start3A_198] : memref<1280x16xf32, #tpu.memory_space<vmem>> -> memref<128x16xf32, #tpu.memory_space<vmem>>
    %dma_start3A_200 = arith.constant 0 : i32
    %dma_start3A_201 = tpu.memref_slice %arg6[%dma_start3A_196, %dma_start3A_200] : memref<10x128xi32, #tpu.memory_space<vmem>> -> memref<1x128xi32, #tpu.memory_space<vmem>>
    %dma_start3A_202 = tpu.memref_squeeze %dma_start3A_201 : memref<1x128xi32, #tpu.memory_space<vmem>> -> memref<128xi32, #tpu.memory_space<vmem>>
    %dma_start3A_203 = arith.constant 0 : i32
    %dma_start3A_204 = arith.constant 0 : i32
    %dma_start3A_205 = tpu.memref_slice %arg2[%dma_start3A_203, %dma_start3A_204] : memref<2600000x16xf32, #tpu.memory_space<hbm>> -> memref<2600000x16xf32, #tpu.memory_space<hbm>>
    tpu.enqueue_indirect_dma source(%dma_start3A_205 : memref<2600000x16xf32, #tpu.memory_space<hbm>>) target(%dma_start3A_199 : memref<128x16xf32, #tpu.memory_space<vmem>>) offsets(%dma_start3A_202 : memref<128xi32, #tpu.memory_space<vmem>>) semaphore(%arg11 : memref<!tpu.dma_semaphore, #tpu.memory_space<semaphore_mem>>)
    %scan3A = arith.constant 0 : i32
    %scan3A_206 = arith.constant 0 : i32
    %scan3A_207 = arith.constant 26 : i32
    %scan3A_208 = arith.addi %scan3A_206, %scan3A_207 : i32
    %scan3A_209 = arith.constant 1 : i32
    scf.for %scan3A_211 = %scan3A_206 to %scan3A_208 step %scan3A_209  : i32 {
      %dma_wait3A = arith.constant 0 : i32
      %dma_wait3A_212 = arith.constant 0 : i32
      %dma_wait3A_213 = arith.constant 0 : i32
      %dma_wait3A_214 = tpu.memref_slice %arg7[%dma_wait3A_212, %dma_wait3A_213] : memref<1280x16xf32, #tpu.memory_space<vmem>> -> memref<128x16xf32, #tpu.memory_space<vmem>>
      %dma_wait3A_215 = arith.constant 0 : i32
      %dma_wait3A_216 = tpu.memref_slice %arg5[%dma_wait3A, %dma_wait3A_215] : memref<10x128xi32, #tpu.memory_space<vmem>> -> memref<1x128xi32, #tpu.memory_space<vmem>>
      %dma_wait3A_217 = tpu.memref_squeeze %dma_wait3A_216 : memref<1x128xi32, #tpu.memory_space<vmem>> -> memref<128xi32, #tpu.memory_space<vmem>>
      %dma_wait3A_218 = arith.constant 0 : i32
      %dma_wait3A_219 = arith.constant 0 : i32
      %dma_wait3A_220 = tpu.memref_slice %arg2[%dma_wait3A_218, %dma_wait3A_219] : memref<2600000x16xf32, #tpu.memory_space<hbm>> -> memref<2600000x16xf32, #tpu.memory_space<hbm>>
      tpu.wait_indirect_dma semaphore(%arg10 : memref<!tpu.dma_semaphore, #tpu.memory_space<semaphore_mem>>) src(%dma_wait3A_220 : memref<2600000x16xf32, #tpu.memory_space<hbm>>) dst(%dma_wait3A_214 : memref<128x16xf32, #tpu.memory_space<vmem>>)
      %dma_wait3A_221 = arith.constant 1 : i32
      %dma_wait3A_222 = arith.constant 128 : i32
      %dma_wait3A_223 = arith.constant 0 : i32
      %dma_wait3A_224 = tpu.memref_slice %arg7[%dma_wait3A_222, %dma_wait3A_223] : memref<1280x16xf32, #tpu.memory_space<vmem>> -> memref<128x16xf32, #tpu.memory_space<vmem>>
      %dma_wait3A_225 = arith.constant 0 : i32
      %dma_wait3A_226 = tpu.memref_slice %arg5[%dma_wait3A_221, %dma_wait3A_225] : memref<10x128xi32, #tpu.memory_space<vmem>> -> memref<1x128xi32, #tpu.memory_space<vmem>>
      %dma_wait3A_227 = tpu.memref_squeeze %dma_wait3A_226 : memref<1x128xi32, #tpu.memory_space<vmem>> -> memref<128xi32, #tpu.memory_space<vmem>>
      %dma_wait3A_228 = arith.constant 0 : i32
      %dma_wait3A_229 = arith.constant 0 : i32
      %dma_wait3A_230 = tpu.memref_slice %arg2[%dma_wait3A_228, %dma_wait3A_229] : memref<2600000x16xf32, #tpu.memory_space<hbm>> -> memref<2600000x16xf32, #tpu.memory_space<hbm>>
      tpu.wait_indirect_dma semaphore(%arg10 : memref<!tpu.dma_semaphore, #tpu.memory_space<semaphore_mem>>) src(%dma_wait3A_230 : memref<2600000x16xf32, #tpu.memory_space<hbm>>) dst(%dma_wait3A_224 : memref<128x16xf32, #tpu.memory_space<vmem>>)
      %dma_wait3A_231 = arith.constant 2 : i32
      %dma_wait3A_232 = arith.constant 256 : i32
      %dma_wait3A_233 = arith.constant 0 : i32
      %dma_wait3A_234 = tpu.memref_slice %arg7[%dma_wait3A_232, %dma_wait3A_233] : memref<1280x16xf32, #tpu.memory_space<vmem>> -> memref<128x16xf32, #tpu.memory_space<vmem>>
      %dma_wait3A_235 = arith.constant 0 : i32
      %dma_wait3A_236 = tpu.memref_slice %arg5[%dma_wait3A_231, %dma_wait3A_235] : memref<10x128xi32, #tpu.memory_space<vmem>> -> memref<1x128xi32, #tpu.memory_space<vmem>>
      %dma_wait3A_237 = tpu.memref_squeeze %dma_wait3A_236 : memref<1x128xi32, #tpu.memory_space<vmem>> -> memref<128xi32, #tpu.memory_space<vmem>>
      %dma_wait3A_238 = arith.constant 0 : i32
      %dma_wait3A_239 = arith.constant 0 : i32
      %dma_wait3A_240 = tpu.memref_slice %arg2[%dma_wait3A_238, %dma_wait3A_239] : memref<2600000x16xf32, #tpu.memory_space<hbm>> -> memref<2600000x16xf32, #tpu.memory_space<hbm>>
      tpu.wait_indirect_dma semaphore(%arg10 : memref<!tpu.dma_semaphore, #tpu.memory_space<semaphore_mem>>) src(%dma_wait3A_240 : memref<2600000x16xf32, #tpu.memory_space<hbm>>) dst(%dma_wait3A_234 : memref<128x16xf32, #tpu.memory_space<vmem>>)
      %dma_wait3A_241 = arith.constant 3 : i32
      %dma_wait3A_242 = arith.constant 384 : i32
      %dma_wait3A_243 = arith.constant 0 : i32
      %dma_wait3A_244 = tpu.memref_slice %arg7[%dma_wait3A_242, %dma_wait3A_243] : memref<1280x16xf32, #tpu.memory_space<vmem>> -> memref<128x16xf32, #tpu.memory_space<vmem>>
      %dma_wait3A_245 = arith.constant 0 : i32
      %dma_wait3A_246 = tpu.memref_slice %arg5[%dma_wait3A_241, %dma_wait3A_245] : memref<10x128xi32, #tpu.memory_space<vmem>> -> memref<1x128xi32, #tpu.memory_space<vmem>>
      %dma_wait3A_247 = tpu.memref_squeeze %dma_wait3A_246 : memref<1x128xi32, #tpu.memory_space<vmem>> -> memref<128xi32, #tpu.memory_space<vmem>>
      %dma_wait3A_248 = arith.constant 0 : i32
      %dma_wait3A_249 = arith.constant 0 : i32
      %dma_wait3A_250 = tpu.memref_slice %arg2[%dma_wait3A_248, %dma_wait3A_249] : memref<2600000x16xf32, #tpu.memory_space<hbm>> -> memref<2600000x16xf32, #tpu.memory_space<hbm>>
      tpu.wait_indirect_dma semaphore(%arg10 : memref<!tpu.dma_semaphore, #tpu.memory_space<semaphore_mem>>) src(%dma_wait3A_250 : memref<2600000x16xf32, #tpu.memory_space<hbm>>) dst(%dma_wait3A_244 : memref<128x16xf32, #tpu.memory_space<vmem>>)
      %dma_wait3A_251 = arith.constant 4 : i32
      %dma_wait3A_252 = arith.constant 512 : i32
      %dma_wait3A_253 = arith.constant 0 : i32
      %dma_wait3A_254 = tpu.memref_slice %arg7[%dma_wait3A_252, %dma_wait3A_253] : memref<1280x16xf32, #tpu.memory_space<vmem>> -> memref<128x16xf32, #tpu.memory_space<vmem>>
      %dma_wait3A_255 = arith.constant 0 : i32
      %dma_wait3A_256 = tpu.memref_slice %arg5[%dma_wait3A_251, %dma_wait3A_255] : memref<10x128xi32, #tpu.memory_space<vmem>> -> memref<1x128xi32, #tpu.memory_space<vmem>>
      %dma_wait3A_257 = tpu.memref_squeeze %dma_wait3A_256 : memref<1x128xi32, #tpu.memory_space<vmem>> -> memref<128xi32, #tpu.memory_space<vmem>>
      %dma_wait3A_258 = arith.constant 0 : i32
      %dma_wait3A_259 = arith.constant 0 : i32
      %dma_wait3A_260 = tpu.memref_slice %arg2[%dma_wait3A_258, %dma_wait3A_259] : memref<2600000x16xf32, #tpu.memory_space<hbm>> -> memref<2600000x16xf32, #tpu.memory_space<hbm>>
      tpu.wait_indirect_dma semaphore(%arg10 : memref<!tpu.dma_semaphore, #tpu.memory_space<semaphore_mem>>) src(%dma_wait3A_260 : memref<2600000x16xf32, #tpu.memory_space<hbm>>) dst(%dma_wait3A_254 : memref<128x16xf32, #tpu.memory_space<vmem>>)
      %dma_wait3A_261 = arith.constant 5 : i32
      %dma_wait3A_262 = arith.constant 640 : i32
      %dma_wait3A_263 = arith.constant 0 : i32
      %dma_wait3A_264 = tpu.memref_slice %arg7[%dma_wait3A_262, %dma_wait3A_263] : memref<1280x16xf32, #tpu.memory_space<vmem>> -> memref<128x16xf32, #tpu.memory_space<vmem>>
      %dma_wait3A_265 = arith.constant 0 : i32
      %dma_wait3A_266 = tpu.memref_slice %arg5[%dma_wait3A_261, %dma_wait3A_265] : memref<10x128xi32, #tpu.memory_space<vmem>> -> memref<1x128xi32, #tpu.memory_space<vmem>>
      %dma_wait3A_267 = tpu.memref_squeeze %dma_wait3A_266 : memref<1x128xi32, #tpu.memory_space<vmem>> -> memref<128xi32, #tpu.memory_space<vmem>>
      %dma_wait3A_268 = arith.constant 0 : i32
      %dma_wait3A_269 = arith.constant 0 : i32
      %dma_wait3A_270 = tpu.memref_slice %arg2[%dma_wait3A_268, %dma_wait3A_269] : memref<2600000x16xf32, #tpu.memory_space<hbm>> -> memref<2600000x16xf32, #tpu.memory_space<hbm>>
      tpu.wait_indirect_dma semaphore(%arg10 : memref<!tpu.dma_semaphore, #tpu.memory_space<semaphore_mem>>) src(%dma_wait3A_270 : memref<2600000x16xf32, #tpu.memory_space<hbm>>) dst(%dma_wait3A_264 : memref<128x16xf32, #tpu.memory_space<vmem>>)
      %dma_wait3A_271 = arith.constant 6 : i32
      %dma_wait3A_272 = arith.constant 768 : i32
      %dma_wait3A_273 = arith.constant 0 : i32
      %dma_wait3A_274 = tpu.memref_slice %arg7[%dma_wait3A_272, %dma_wait3A_273] : memref<1280x16xf32, #tpu.memory_space<vmem>> -> memref<128x16xf32, #tpu.memory_space<vmem>>
      %dma_wait3A_275 = arith.constant 0 : i32
      %dma_wait3A_276 = tpu.memref_slice %arg5[%dma_wait3A_271, %dma_wait3A_275] : memref<10x128xi32, #tpu.memory_space<vmem>> -> memref<1x128xi32, #tpu.memory_space<vmem>>
      %dma_wait3A_277 = tpu.memref_squeeze %dma_wait3A_276 : memref<1x128xi32, #tpu.memory_space<vmem>> -> memref<128xi32, #tpu.memory_space<vmem>>
      %dma_wait3A_278 = arith.constant 0 : i32
      %dma_wait3A_279 = arith.constant 0 : i32
      %dma_wait3A_280 = tpu.memref_slice %arg2[%dma_wait3A_278, %dma_wait3A_279] : memref<2600000x16xf32, #tpu.memory_space<hbm>> -> memref<2600000x16xf32, #tpu.memory_space<hbm>>
      tpu.wait_indirect_dma semaphore(%arg10 : memref<!tpu.dma_semaphore, #tpu.memory_space<semaphore_mem>>) src(%dma_wait3A_280 : memref<2600000x16xf32, #tpu.memory_space<hbm>>) dst(%dma_wait3A_274 : memref<128x16xf32, #tpu.memory_space<vmem>>)
      %dma_wait3A_281 = arith.constant 7 : i32
      %dma_wait3A_282 = arith.constant 896 : i32
      %dma_wait3A_283 = arith.constant 0 : i32
      %dma_wait3A_284 = tpu.memref_slice %arg7[%dma_wait3A_282, %dma_wait3A_283] : memref<1280x16xf32, #tpu.memory_space<vmem>> -> memref<128x16xf32, #tpu.memory_space<vmem>>
      %dma_wait3A_285 = arith.constant 0 : i32
      %dma_wait3A_286 = tpu.memref_slice %arg5[%dma_wait3A_281, %dma_wait3A_285] : memref<10x128xi32, #tpu.memory_space<vmem>> -> memref<1x128xi32, #tpu.memory_space<vmem>>
      %dma_wait3A_287 = tpu.memref_squeeze %dma_wait3A_286 : memref<1x128xi32, #tpu.memory_space<vmem>> -> memref<128xi32, #tpu.memory_space<vmem>>
      %dma_wait3A_288 = arith.constant 0 : i32
      %dma_wait3A_289 = arith.constant 0 : i32
      %dma_wait3A_290 = tpu.memref_slice %arg2[%dma_wait3A_288, %dma_wait3A_289] : memref<2600000x16xf32, #tpu.memory_space<hbm>> -> memref<2600000x16xf32, #tpu.memory_space<hbm>>
      tpu.wait_indirect_dma semaphore(%arg10 : memref<!tpu.dma_semaphore, #tpu.memory_space<semaphore_mem>>) src(%dma_wait3A_290 : memref<2600000x16xf32, #tpu.memory_space<hbm>>) dst(%dma_wait3A_284 : memref<128x16xf32, #tpu.memory_space<vmem>>)
      %dma_wait3A_291 = arith.constant 8 : i32
      %dma_wait3A_292 = arith.constant 1024 : i32
      %dma_wait3A_293 = arith.constant 0 : i32
      %dma_wait3A_294 = tpu.memref_slice %arg7[%dma_wait3A_292, %dma_wait3A_293] : memref<1280x16xf32, #tpu.memory_space<vmem>> -> memref<128x16xf32, #tpu.memory_space<vmem>>
      %dma_wait3A_295 = arith.constant 0 : i32
      %dma_wait3A_296 = tpu.memref_slice %arg5[%dma_wait3A_291, %dma_wait3A_295] : memref<10x128xi32, #tpu.memory_space<vmem>> -> memref<1x128xi32, #tpu.memory_space<vmem>>
      %dma_wait3A_297 = tpu.memref_squeeze %dma_wait3A_296 : memref<1x128xi32, #tpu.memory_space<vmem>> -> memref<128xi32, #tpu.memory_space<vmem>>
      %dma_wait3A_298 = arith.constant 0 : i32
      %dma_wait3A_299 = arith.constant 0 : i32
      %dma_wait3A_300 = tpu.memref_slice %arg2[%dma_wait3A_298, %dma_wait3A_299] : memref<2600000x16xf32, #tpu.memory_space<hbm>> -> memref<2600000x16xf32, #tpu.memory_space<hbm>>
      tpu.wait_indirect_dma semaphore(%arg10 : memref<!tpu.dma_semaphore, #tpu.memory_space<semaphore_mem>>) src(%dma_wait3A_300 : memref<2600000x16xf32, #tpu.memory_space<hbm>>) dst(%dma_wait3A_294 : memref<128x16xf32, #tpu.memory_space<vmem>>)
      %dma_wait3A_301 = arith.constant 9 : i32
      %dma_wait3A_302 = arith.constant 1152 : i32
      %dma_wait3A_303 = arith.constant 0 : i32
      %dma_wait3A_304 = tpu.memref_slice %arg7[%dma_wait3A_302, %dma_wait3A_303] : memref<1280x16xf32, #tpu.memory_space<vmem>> -> memref<128x16xf32, #tpu.memory_space<vmem>>
      %dma_wait3A_305 = arith.constant 0 : i32
      %dma_wait3A_306 = tpu.memref_slice %arg5[%dma_wait3A_301, %dma_wait3A_305] : memref<10x128xi32, #tpu.memory_space<vmem>> -> memref<1x128xi32, #tpu.memory_space<vmem>>
      %dma_wait3A_307 = tpu.memref_squeeze %dma_wait3A_306 : memref<1x128xi32, #tpu.memory_space<vmem>> -> memref<128xi32, #tpu.memory_space<vmem>>
      %dma_wait3A_308 = arith.constant 0 : i32
      %dma_wait3A_309 = arith.constant 0 : i32
      %dma_wait3A_310 = tpu.memref_slice %arg2[%dma_wait3A_308, %dma_wait3A_309] : memref<2600000x16xf32, #tpu.memory_space<hbm>> -> memref<2600000x16xf32, #tpu.memory_space<hbm>>
      tpu.wait_indirect_dma semaphore(%arg10 : memref<!tpu.dma_semaphore, #tpu.memory_space<semaphore_mem>>) src(%dma_wait3A_310 : memref<2600000x16xf32, #tpu.memory_space<hbm>>) dst(%dma_wait3A_304 : memref<128x16xf32, #tpu.memory_space<vmem>>)
      %scan3A_311 = arith.constant 0 : i32
      %scan3A_312 = arith.constant 0 : i32
      %scan3A_313 = arith.constant 32 : i32
      %scan3A_314 = arith.addi %scan3A_312, %scan3A_313 : i32
      %scan3A_315 = arith.constant 1 : i32
      scf.for %scan3A_430 = %scan3A_312 to %scan3A_314 step %scan3A_315  : i32 {
        %mul3A_431 = arith.constant 2 : i32
        %mul3A_432 = arith.muli %scan3A_430, %mul3A_431 : i32
        %mul3A_433 = arith.constant 20 : i32
        %mul3A_434 = arith.muli %mul3A_432, %mul3A_433 : i32
        %add3A_435 = arith.constant 20 : i32
        %add3A_436 = arith.addi %mul3A_434, %add3A_435 : i32
        %get3A = arith.index_cast %mul3A_434 : i32 to index
        %get3A_437 = arith.constant 0 : index
        %get3A_438 = tpu.vector_load %arg7[%get3A, %get3A_437] {strides = array<i32>} : memref<1280x16xf32, #tpu.memory_space<vmem>>, vector<1x16xf32>,
        %get3A_439 = vector.shape_cast %get3A_438 : vector<1x16xf32> to vector<16xf32>
        %get3A_440 = arith.index_cast %add3A_436 : i32 to index
        %get3A_441 = arith.constant 0 : index
        %get3A_442 = tpu.vector_load %arg7[%get3A_440, %get3A_441] {strides = array<i32>} : memref<1280x16xf32, #tpu.memory_space<vmem>>, vector<1x16xf32>,
        %get3A_443 = vector.shape_cast %get3A_442 : vector<1x16xf32> to vector<16xf32>
        %add3A_444 = arith.constant 1 : i32
        %add3A_445 = arith.addi %mul3A_434, %add3A_444 : i32
        %get3A_446 = arith.index_cast %add3A_445 : i32 to index
        %get3A_447 = arith.constant 0 : index
        %get3A_448 = tpu.vector_load %arg7[%get3A_446, %get3A_447] {strides = array<i32>} : memref<1280x16xf32, #tpu.memory_space<vmem>>, vector<1x16xf32>,
        %get3A_449 = vector.shape_cast %get3A_448 : vector<1x16xf32> to vector<16xf32>
        %add3A_450 = arith.addf %get3A_439, %get3A_449 : vector<16xf32>
        %add3A_451 = arith.constant 1 : i32
        %add3A_452 = arith.addi %add3A_436, %add3A_451 : i32
        %get3A_453 = arith.index_cast %add3A_452 : i32 to index
        %get3A_454 = arith.constant 0 : index
        %get3A_455 = tpu.vector_load %arg7[%get3A_453, %get3A_454] {strides = array<i32>} : memref<1280x16xf32, #tpu.memory_space<vmem>>, vector<1x16xf32>,
        %get3A_456 = vector.shape_cast %get3A_455 : vector<1x16xf32> to vector<16xf32>
        %add3A_457 = arith.addf %get3A_443, %get3A_456 : vector<16xf32>
        %add3A_458 = arith.constant 2 : i32
        %add3A_459 = arith.addi %mul3A_434, %add3A_458 : i32
        %get3A_460 = arith.index_cast %add3A_459 : i32 to index
        %get3A_461 = arith.constant 0 : index
        %get3A_462 = tpu.vector_load %arg7[%get3A_460, %get3A_461] {strides = array<i32>} : memref<1280x16xf32, #tpu.memory_space<vmem>>, vector<1x16xf32>,
        %get3A_463 = vector.shape_cast %get3A_462 : vector<1x16xf32> to vector<16xf32>
        %add3A_464 = arith.addf %add3A_450, %get3A_463 : vector<16xf32>
        %add3A_465 = arith.constant 2 : i32
        %add3A_466 = arith.addi %add3A_436, %add3A_465 : i32
        %get3A_467 = arith.index_cast %add3A_466 : i32 to index
        %get3A_468 = arith.constant 0 : index
        %get3A_469 = tpu.vector_load %arg7[%get3A_467, %get3A_468] {strides = array<i32>} : memref<1280x16xf32, #tpu.memory_space<vmem>>, vector<1x16xf32>,
        %get3A_470 = vector.shape_cast %get3A_469 : vector<1x16xf32> to vector<16xf32>
        %add3A_471 = arith.addf %add3A_457, %get3A_470 : vector<16xf32>
        %add3A_472 = arith.constant 3 : i32
        %add3A_473 = arith.addi %mul3A_434, %add3A_472 : i32
        %get3A_474 = arith.index_cast %add3A_473 : i32 to index
        %get3A_475 = arith.constant 0 : index
        %get3A_476 = tpu.vector_load %arg7[%get3A_474, %get3A_475] {strides = array<i32>} : memref<1280x16xf32, #tpu.memory_space<vmem>>, vector<1x16xf32>,
        %get3A_477 = vector.shape_cast %get3A_476 : vector<1x16xf32> to vector<16xf32>
        %add3A_478 = arith.addf %add3A_464, %get3A_477 : vector<16xf32>
        %add3A_479 = arith.constant 3 : i32
        %add3A_480 = arith.addi %add3A_436, %add3A_479 : i32
        %get3A_481 = arith.index_cast %add3A_480 : i32 to index
        %get3A_482 = arith.constant 0 : index
        %get3A_483 = tpu.vector_load %arg7[%get3A_481, %get3A_482] {strides = array<i32>} : memref<1280x16xf32, #tpu.memory_space<vmem>>, vector<1x16xf32>,
        %get3A_484 = vector.shape_cast %get3A_483 : vector<1x16xf32> to vector<16xf32>
        %add3A_485 = arith.addf %add3A_471, %get3A_484 : vector<16xf32>
        %add3A_486 = arith.constant 4 : i32
        %add3A_487 = arith.addi %mul3A_434, %add3A_486 : i32
        %get3A_488 = arith.index_cast %add3A_487 : i32 to index
        %get3A_489 = arith.constant 0 : index
        %get3A_490 = tpu.vector_load %arg7[%get3A_488, %get3A_489] {strides = array<i32>} : memref<1280x16xf32, #tpu.memory_space<vmem>>, vector<1x16xf32>,
        %get3A_491 = vector.shape_cast %get3A_490 : vector<1x16xf32> to vector<16xf32>
        %add3A_492 = arith.addf %add3A_478, %get3A_491 : vector<16xf32>
        %add3A_493 = arith.constant 4 : i32
        %add3A_494 = arith.addi %add3A_436, %add3A_493 : i32
        %get3A_495 = arith.index_cast %add3A_494 : i32 to index
        %get3A_496 = arith.constant 0 : index
        %get3A_497 = tpu.vector_load %arg7[%get3A_495, %get3A_496] {strides = array<i32>} : memref<1280x16xf32, #tpu.memory_space<vmem>>, vector<1x16xf32>,
        %get3A_498 = vector.shape_cast %get3A_497 : vector<1x16xf32> to vector<16xf32>
        %add3A_499 = arith.addf %add3A_485, %get3A_498 : vector<16xf32>
        %add3A_500 = arith.constant 5 : i32
        %add3A_501 = arith.addi %mul3A_434, %add3A_500 : i32
        %get3A_502 = arith.index_cast %add3A_501 : i32 to index
        %get3A_503 = arith.constant 0 : index
        %get3A_504 = tpu.vector_load %arg7[%get3A_502, %get3A_503] {strides = array<i32>} : memref<1280x16xf32, #tpu.memory_space<vmem>>, vector<1x16xf32>,
        %get3A_505 = vector.shape_cast %get3A_504 : vector<1x16xf32> to vector<16xf32>
        %add3A_506 = arith.addf %add3A_492, %get3A_505 : vector<16xf32>
        %add3A_507 = arith.constant 5 : i32
        %add3A_508 = arith.addi %add3A_436, %add3A_507 : i32
        %get3A_509 = arith.index_cast %add3A_508 : i32 to index
        %get3A_510 = arith.constant 0 : index
        %get3A_511 = tpu.vector_load %arg7[%get3A_509, %get3A_510] {strides = array<i32>} : memref<1280x16xf32, #tpu.memory_space<vmem>>, vector<1x16xf32>,
        %get3A_512 = vector.shape_cast %get3A_511 : vector<1x16xf32> to vector<16xf32>
        %add3A_513 = arith.addf %add3A_499, %get3A_512 : vector<16xf32>
        %add3A_514 = arith.constant 6 : i32
        %add3A_515 = arith.addi %mul3A_434, %add3A_514 : i32
        %get3A_516 = arith.index_cast %add3A_515 : i32 to index
        %get3A_517 = arith.constant 0 : index
        %get3A_518 = tpu.vector_load %arg7[%get3A_516, %get3A_517] {strides = array<i32>} : memref<1280x16xf32, #tpu.memory_space<vmem>>, vector<1x16xf32>,
        %get3A_519 = vector.shape_cast %get3A_518 : vector<1x16xf32> to vector<16xf32>
        %add3A_520 = arith.addf %add3A_506, %get3A_519 : vector<16xf32>
        %add3A_521 = arith.constant 6 : i32
        %add3A_522 = arith.addi %add3A_436, %add3A_521 : i32
        %get3A_523 = arith.index_cast %add3A_522 : i32 to index
        %get3A_524 = arith.constant 0 : index
        %get3A_525 = tpu.vector_load %arg7[%get3A_523, %get3A_524] {strides = array<i32>} : memref<1280x16xf32, #tpu.memory_space<vmem>>, vector<1x16xf32>,
        %get3A_526 = vector.shape_cast %get3A_525 : vector<1x16xf32> to vector<16xf32>
        %add3A_527 = arith.addf %add3A_513, %get3A_526 : vector<16xf32>
        %add3A_528 = arith.constant 7 : i32
        %add3A_529 = arith.addi %mul3A_434, %add3A_528 : i32
        %get3A_530 = arith.index_cast %add3A_529 : i32 to index
        %get3A_531 = arith.constant 0 : index
        %get3A_532 = tpu.vector_load %arg7[%get3A_530, %get3A_531] {strides = array<i32>} : memref<1280x16xf32, #tpu.memory_space<vmem>>, vector<1x16xf32>,
        %get3A_533 = vector.shape_cast %get3A_532 : vector<1x16xf32> to vector<16xf32>
        %add3A_534 = arith.addf %add3A_520, %get3A_533 : vector<16xf32>
        %add3A_535 = arith.constant 7 : i32
        %add3A_536 = arith.addi %add3A_436, %add3A_535 : i32
        %get3A_537 = arith.index_cast %add3A_536 : i32 to index
        %get3A_538 = arith.constant 0 : index
        %get3A_539 = tpu.vector_load %arg7[%get3A_537, %get3A_538] {strides = array<i32>} : memref<1280x16xf32, #tpu.memory_space<vmem>>, vector<1x16xf32>,
        %get3A_540 = vector.shape_cast %get3A_539 : vector<1x16xf32> to vector<16xf32>
        %add3A_541 = arith.addf %add3A_527, %get3A_540 : vector<16xf32>
        %add3A_542 = arith.constant 8 : i32
        %add3A_543 = arith.addi %mul3A_434, %add3A_542 : i32
        %get3A_544 = arith.index_cast %add3A_543 : i32 to index
        %get3A_545 = arith.constant 0 : index
        %get3A_546 = tpu.vector_load %arg7[%get3A_544, %get3A_545] {strides = array<i32>} : memref<1280x16xf32, #tpu.memory_space<vmem>>, vector<1x16xf32>,
        %get3A_547 = vector.shape_cast %get3A_546 : vector<1x16xf32> to vector<16xf32>
        %add3A_548 = arith.addf %add3A_534, %get3A_547 : vector<16xf32>
        %add3A_549 = arith.constant 8 : i32
        %add3A_550 = arith.addi %add3A_436, %add3A_549 : i32
        %get3A_551 = arith.index_cast %add3A_550 : i32 to index
        %get3A_552 = arith.constant 0 : index
        %get3A_553 = tpu.vector_load %arg7[%get3A_551, %get3A_552] {strides = array<i32>} : memref<1280x16xf32, #tpu.memory_space<vmem>>, vector<1x16xf32>,
        %get3A_554 = vector.shape_cast %get3A_553 : vector<1x16xf32> to vector<16xf32>
        %add3A_555 = arith.addf %add3A_541, %get3A_554 : vector<16xf32>
        %add3A_556 = arith.constant 9 : i32
        %add3A_557 = arith.addi %mul3A_434, %add3A_556 : i32
        %get3A_558 = arith.index_cast %add3A_557 : i32 to index
        %get3A_559 = arith.constant 0 : index
        %get3A_560 = tpu.vector_load %arg7[%get3A_558, %get3A_559] {strides = array<i32>} : memref<1280x16xf32, #tpu.memory_space<vmem>>, vector<1x16xf32>,
        %get3A_561 = vector.shape_cast %get3A_560 : vector<1x16xf32> to vector<16xf32>
        %add3A_562 = arith.addf %add3A_548, %get3A_561 : vector<16xf32>
        %add3A_563 = arith.constant 9 : i32
        %add3A_564 = arith.addi %add3A_436, %add3A_563 : i32
        %get3A_565 = arith.index_cast %add3A_564 : i32 to index
        %get3A_566 = arith.constant 0 : index
        %get3A_567 = tpu.vector_load %arg7[%get3A_565, %get3A_566] {strides = array<i32>} : memref<1280x16xf32, #tpu.memory_space<vmem>>, vector<1x16xf32>,
        %get3A_568 = vector.shape_cast %get3A_567 : vector<1x16xf32> to vector<16xf32>
        %add3A_569 = arith.addf %add3A_555, %get3A_568 : vector<16xf32>
        %add3A_570 = arith.constant 10 : i32
        %add3A_571 = arith.addi %mul3A_434, %add3A_570 : i32
        %get3A_572 = arith.index_cast %add3A_571 : i32 to index
        %get3A_573 = arith.constant 0 : index
        %get3A_574 = tpu.vector_load %arg7[%get3A_572, %get3A_573] {strides = array<i32>} : memref<1280x16xf32, #tpu.memory_space<vmem>>, vector<1x16xf32>,
        %get3A_575 = vector.shape_cast %get3A_574 : vector<1x16xf32> to vector<16xf32>
        %add3A_576 = arith.addf %add3A_562, %get3A_575 : vector<16xf32>
        %add3A_577 = arith.constant 10 : i32
        %add3A_578 = arith.addi %add3A_436, %add3A_577 : i32
        %get3A_579 = arith.index_cast %add3A_578 : i32 to index
        %get3A_580 = arith.constant 0 : index
        %get3A_581 = tpu.vector_load %arg7[%get3A_579, %get3A_580] {strides = array<i32>} : memref<1280x16xf32, #tpu.memory_space<vmem>>, vector<1x16xf32>,
        %get3A_582 = vector.shape_cast %get3A_581 : vector<1x16xf32> to vector<16xf32>
        %add3A_583 = arith.addf %add3A_569, %get3A_582 : vector<16xf32>
        %add3A_584 = arith.constant 11 : i32
        %add3A_585 = arith.addi %mul3A_434, %add3A_584 : i32
        %get3A_586 = arith.index_cast %add3A_585 : i32 to index
        %get3A_587 = arith.constant 0 : index
        %get3A_588 = tpu.vector_load %arg7[%get3A_586, %get3A_587] {strides = array<i32>} : memref<1280x16xf32, #tpu.memory_space<vmem>>, vector<1x16xf32>,
        %get3A_589 = vector.shape_cast %get3A_588 : vector<1x16xf32> to vector<16xf32>
        %add3A_590 = arith.addf %add3A_576, %get3A_589 : vector<16xf32>
        %add3A_591 = arith.constant 11 : i32
        %add3A_592 = arith.addi %add3A_436, %add3A_591 : i32
        %get3A_593 = arith.index_cast %add3A_592 : i32 to index
        %get3A_594 = arith.constant 0 : index
        %get3A_595 = tpu.vector_load %arg7[%get3A_593, %get3A_594] {strides = array<i32>} : memref<1280x16xf32, #tpu.memory_space<vmem>>, vector<1x16xf32>,
        %get3A_596 = vector.shape_cast %get3A_595 : vector<1x16xf32> to vector<16xf32>
        %add3A_597 = arith.addf %add3A_583, %get3A_596 : vector<16xf32>
        %add3A_598 = arith.constant 12 : i32
        %add3A_599 = arith.addi %mul3A_434, %add3A_598 : i32
        %get3A_600 = arith.index_cast %add3A_599 : i32 to index
        %get3A_601 = arith.constant 0 : index
        %get3A_602 = tpu.vector_load %arg7[%get3A_600, %get3A_601] {strides = array<i32>} : memref<1280x16xf32, #tpu.memory_space<vmem>>, vector<1x16xf32>,
        %get3A_603 = vector.shape_cast %get3A_602 : vector<1x16xf32> to vector<16xf32>
        %add3A_604 = arith.addf %add3A_590, %get3A_603 : vector<16xf32>
        %add3A_605 = arith.constant 12 : i32
        %add3A_606 = arith.addi %add3A_436, %add3A_605 : i32
        %get3A_607 = arith.index_cast %add3A_606 : i32 to index
        %get3A_608 = arith.constant 0 : index
        %get3A_609 = tpu.vector_load %arg7[%get3A_607, %get3A_608] {strides = array<i32>} : memref<1280x16xf32, #tpu.memory_space<vmem>>, vector<1x16xf32>,
        %get3A_610 = vector.shape_cast %get3A_609 : vector<1x16xf32> to vector<16xf32>
        %add3A_611 = arith.addf %add3A_597, %get3A_610 : vector<16xf32>
        %add3A_612 = arith.constant 13 : i32
        %add3A_613 = arith.addi %mul3A_434, %add3A_612 : i32
        %get3A_614 = arith.index_cast %add3A_613 : i32 to index
        %get3A_615 = arith.constant 0 : index
        %get3A_616 = tpu.vector_load %arg7[%get3A_614, %get3A_615] {strides = array<i32>} : memref<1280x16xf32, #tpu.memory_space<vmem>>, vector<1x16xf32>,
        %get3A_617 = vector.shape_cast %get3A_616 : vector<1x16xf32> to vector<16xf32>
        %add3A_618 = arith.addf %add3A_604, %get3A_617 : vector<16xf32>
        %add3A_619 = arith.constant 13 : i32
        %add3A_620 = arith.addi %add3A_436, %add3A_619 : i32
        %get3A_621 = arith.index_cast %add3A_620 : i32 to index
        %get3A_622 = arith.constant 0 : index
        %get3A_623 = tpu.vector_load %arg7[%get3A_621, %get3A_622] {strides = array<i32>} : memref<1280x16xf32, #tpu.memory_space<vmem>>, vector<1x16xf32>,
        %get3A_624 = vector.shape_cast %get3A_623 : vector<1x16xf32> to vector<16xf32>
        %add3A_625 = arith.addf %add3A_611, %get3A_624 : vector<16xf32>
        %add3A_626 = arith.constant 14 : i32
        %add3A_627 = arith.addi %mul3A_434, %add3A_626 : i32
        %get3A_628 = arith.index_cast %add3A_627 : i32 to index
        %get3A_629 = arith.constant 0 : index
        %get3A_630 = tpu.vector_load %arg7[%get3A_628, %get3A_629] {strides = array<i32>} : memref<1280x16xf32, #tpu.memory_space<vmem>>, vector<1x16xf32>,
        %get3A_631 = vector.shape_cast %get3A_630 : vector<1x16xf32> to vector<16xf32>
        %add3A_632 = arith.addf %add3A_618, %get3A_631 : vector<16xf32>
        %add3A_633 = arith.constant 14 : i32
        %add3A_634 = arith.addi %add3A_436, %add3A_633 : i32
        %get3A_635 = arith.index_cast %add3A_634 : i32 to index
        %get3A_636 = arith.constant 0 : index
        %get3A_637 = tpu.vector_load %arg7[%get3A_635, %get3A_636] {strides = array<i32>} : memref<1280x16xf32, #tpu.memory_space<vmem>>, vector<1x16xf32>,
        %get3A_638 = vector.shape_cast %get3A_637 : vector<1x16xf32> to vector<16xf32>
        %add3A_639 = arith.addf %add3A_625, %get3A_638 : vector<16xf32>
        %add3A_640 = arith.constant 15 : i32
        %add3A_641 = arith.addi %mul3A_434, %add3A_640 : i32
        %get3A_642 = arith.index_cast %add3A_641 : i32 to index
        %get3A_643 = arith.constant 0 : index
        %get3A_644 = tpu.vector_load %arg7[%get3A_642, %get3A_643] {strides = array<i32>} : memref<1280x16xf32, #tpu.memory_space<vmem>>, vector<1x16xf32>,
        %get3A_645 = vector.shape_cast %get3A_644 : vector<1x16xf32> to vector<16xf32>
        %add3A_646 = arith.addf %add3A_632, %get3A_645 : vector<16xf32>
        %add3A_647 = arith.constant 15 : i32
        %add3A_648 = arith.addi %add3A_436, %add3A_647 : i32
        %get3A_649 = arith.index_cast %add3A_648 : i32 to index
        %get3A_650 = arith.constant 0 : index
        %get3A_651 = tpu.vector_load %arg7[%get3A_649, %get3A_650] {strides = array<i32>} : memref<1280x16xf32, #tpu.memory_space<vmem>>, vector<1x16xf32>,
        %get3A_652 = vector.shape_cast %get3A_651 : vector<1x16xf32> to vector<16xf32>
        %add3A_653 = arith.addf %add3A_639, %get3A_652 : vector<16xf32>
        %add3A_654 = arith.constant 16 : i32
        %add3A_655 = arith.addi %mul3A_434, %add3A_654 : i32
        %get3A_656 = arith.index_cast %add3A_655 : i32 to index
        %get3A_657 = arith.constant 0 : index
        %get3A_658 = tpu.vector_load %arg7[%get3A_656, %get3A_657] {strides = array<i32>} : memref<1280x16xf32, #tpu.memory_space<vmem>>, vector<1x16xf32>,
        %get3A_659 = vector.shape_cast %get3A_658 : vector<1x16xf32> to vector<16xf32>
        %add3A_660 = arith.addf %add3A_646, %get3A_659 : vector<16xf32>
        %add3A_661 = arith.constant 16 : i32
        %add3A_662 = arith.addi %add3A_436, %add3A_661 : i32
        %get3A_663 = arith.index_cast %add3A_662 : i32 to index
        %get3A_664 = arith.constant 0 : index
        %get3A_665 = tpu.vector_load %arg7[%get3A_663, %get3A_664] {strides = array<i32>} : memref<1280x16xf32, #tpu.memory_space<vmem>>, vector<1x16xf32>,
        %get3A_666 = vector.shape_cast %get3A_665 : vector<1x16xf32> to vector<16xf32>
        %add3A_667 = arith.addf %add3A_653, %get3A_666 : vector<16xf32>
        %add3A_668 = arith.constant 17 : i32
        %add3A_669 = arith.addi %mul3A_434, %add3A_668 : i32
        %get3A_670 = arith.index_cast %add3A_669 : i32 to index
        %get3A_671 = arith.constant 0 : index
        %get3A_672 = tpu.vector_load %arg7[%get3A_670, %get3A_671] {strides = array<i32>} : memref<1280x16xf32, #tpu.memory_space<vmem>>, vector<1x16xf32>,
        %get3A_673 = vector.shape_cast %get3A_672 : vector<1x16xf32> to vector<16xf32>
        %add3A_674 = arith.addf %add3A_660, %get3A_673 : vector<16xf32>
        %add3A_675 = arith.constant 17 : i32
        %add3A_676 = arith.addi %add3A_436, %add3A_675 : i32
        %get3A_677 = arith.index_cast %add3A_676 : i32 to index
        %get3A_678 = arith.constant 0 : index
        %get3A_679 = tpu.vector_load %arg7[%get3A_677, %get3A_678] {strides = array<i32>} : memref<1280x16xf32, #tpu.memory_space<vmem>>, vector<1x16xf32>,
        %get3A_680 = vector.shape_cast %get3A_679 : vector<1x16xf32> to vector<16xf32>
        %add3A_681 = arith.addf %add3A_667, %get3A_680 : vector<16xf32>
        %add3A_682 = arith.constant 18 : i32
        %add3A_683 = arith.addi %mul3A_434, %add3A_682 : i32
        %get3A_684 = arith.index_cast %add3A_683 : i32 to index
        %get3A_685 = arith.constant 0 : index
        %get3A_686 = tpu.vector_load %arg7[%get3A_684, %get3A_685] {strides = array<i32>} : memref<1280x16xf32, #tpu.memory_space<vmem>>, vector<1x16xf32>,
        %get3A_687 = vector.shape_cast %get3A_686 : vector<1x16xf32> to vector<16xf32>
        %add3A_688 = arith.addf %add3A_674, %get3A_687 : vector<16xf32>
        %add3A_689 = arith.constant 18 : i32
        %add3A_690 = arith.addi %add3A_436, %add3A_689 : i32
        %get3A_691 = arith.index_cast %add3A_690 : i32 to index
        %get3A_692 = arith.constant 0 : index
        %get3A_693 = tpu.vector_load %arg7[%get3A_691, %get3A_692] {strides = array<i32>} : memref<1280x16xf32, #tpu.memory_space<vmem>>, vector<1x16xf32>,
        %get3A_694 = vector.shape_cast %get3A_693 : vector<1x16xf32> to vector<16xf32>
        %add3A_695 = arith.addf %add3A_681, %get3A_694 : vector<16xf32>
        %add3A_696 = arith.constant 19 : i32
        %add3A_697 = arith.addi %mul3A_434, %add3A_696 : i32
        %get3A_698 = arith.index_cast %add3A_697 : i32 to index
        %get3A_699 = arith.constant 0 : index
        %get3A_700 = tpu.vector_load %arg7[%get3A_698, %get3A_699] {strides = array<i32>} : memref<1280x16xf32, #tpu.memory_space<vmem>>, vector<1x16xf32>,
        %get3A_701 = vector.shape_cast %get3A_700 : vector<1x16xf32> to vector<16xf32>
        %add3A_702 = arith.addf %add3A_688, %get3A_701 : vector<16xf32>
        %add3A_703 = arith.constant 19 : i32
        %add3A_704 = arith.addi %add3A_436, %add3A_703 : i32
        %get3A_705 = arith.index_cast %add3A_704 : i32 to index
        %get3A_706 = arith.constant 0 : index
        %get3A_707 = tpu.vector_load %arg7[%get3A_705, %get3A_706] {strides = array<i32>} : memref<1280x16xf32, #tpu.memory_space<vmem>>, vector<1x16xf32>,
        %get3A_708 = vector.shape_cast %get3A_707 : vector<1x16xf32> to vector<16xf32>
        %add3A_709 = arith.addf %add3A_695, %get3A_708 : vector<16xf32>
        %mul3A_710 = arith.constant 16 : i32
        %mul3A_711 = arith.muli %scan3A_211, %mul3A_710 : i32
        %div3A = arith.constant 2.000000e+01 : f32
        %div3A_712 = vector.broadcast %div3A : f32 to vector<16xf32>
        %div3A_713 = arith.divf %add3A_702, %div3A_712 : vector<16xf32>
        %add3A_714 = arith.constant 0 : i32
        %add3A_715 = arith.addi %add3A_714, %mul3A_432 : i32
        %swap3A = arith.index_cast %add3A_715 : i32 to index
        %swap3A_716 = arith.index_cast %mul3A_711 : i32 to index
        %swap3A_717 = tpu.vector_load %arg9[%swap3A, %swap3A_716] {strides = array<i32>} : memref<128x416xf32, #tpu.memory_space<vmem>>, vector<1x16xf32>,
        %swap3A_718 = vector.shape_cast %swap3A_717 : vector<1x16xf32> to vector<16xf32>
        %swap3A_719 = vector.shape_cast %div3A_713 : vector<16xf32> to vector<1x16xf32>
        tpu.vector_store %arg9[%swap3A, %swap3A_716], %swap3A_719 {strides = array<i32>} : memref<128x416xf32, #tpu.memory_space<vmem>>, vector<1x16xf32>,
        %div3A_720 = arith.constant 2.000000e+01 : f32
        %div3A_721 = vector.broadcast %div3A_720 : f32 to vector<16xf32>
        %div3A_722 = arith.divf %add3A_709, %div3A_721 : vector<16xf32>
        %add3A_723 = arith.constant 0 : i32
        %add3A_724 = arith.addi %add3A_723, %mul3A_432 : i32
        %add3A_725 = arith.constant 1 : i32
        %add3A_726 = arith.addi %add3A_724, %add3A_725 : i32
        %swap3A_727 = arith.index_cast %add3A_726 : i32 to index
        %swap3A_728 = arith.index_cast %mul3A_711 : i32 to index
        %swap3A_729 = tpu.vector_load %arg9[%swap3A_727, %swap3A_728] {strides = array<i32>} : memref<128x416xf32, #tpu.memory_space<vmem>>, vector<1x16xf32>,
        %swap3A_730 = vector.shape_cast %swap3A_729 : vector<1x16xf32> to vector<16xf32>
        %swap3A_731 = vector.shape_cast %div3A_722 : vector<16xf32> to vector<1x16xf32>
        tpu.vector_store %arg9[%swap3A_727, %swap3A_728], %swap3A_731 {strides = array<i32>} : memref<128x416xf32, #tpu.memory_space<vmem>>, vector<1x16xf32>,
      }
      %scan3A_316 = arith.constant 32 : i32
      %lt3A = arith.constant 25 : i32
      %lt3A_317 = arith.cmpi slt, %scan3A_211, %lt3A : i32
      %convert_element_type3A = arith.extui %lt3A_317 : i1 to i32
      %cond3A = arith.constant 0 : i32
      %cond3A_318 = arith.cmpi ne, %convert_element_type3A, %cond3A : i32
      scf.if %cond3A_318 {
        %add3A_430 = arith.constant 1 : i32
        %add3A_431 = arith.addi %scan3A_211, %add3A_430 : i32
        %mul3A_432 = arith.constant 32 : i32
        %mul3A_433 = arith.muli %add3A_431, %mul3A_432 : i32
        %add3A_434 = arith.addi %mul3A_433, %add3A : i32
        "tpu.region"() ({
          %run_scoped3A = tpu.sem_alloc : memref<!tpu.dma_semaphore, #tpu.memory_space<semaphore_mem>>
          %dma_start3A_535 = arith.constant 0 : i32
          %dma_start3A_536 = arith.constant 0 : i32
          %dma_start3A_537 = tpu.memref_slice %arg3[%add3A_434, %dma_start3A_535, %dma_start3A_536] : memref<832x20x128xi32, #tpu.memory_space<hbm>> -> memref<1x10x128xi32, #tpu.memory_space<hbm>>
          %dma_start3A_538 = tpu.memref_squeeze %dma_start3A_537 : memref<1x10x128xi32, #tpu.memory_space<hbm>> -> memref<10x128xi32, #tpu.memory_space<hbm>>
          %dma_start3A_539 = arith.constant 0 : i32
          %dma_start3A_540 = arith.constant 0 : i32
          %dma_start3A_541 = tpu.memref_slice %arg3[%add3A_434, %dma_start3A_539, %dma_start3A_540] : memref<832x20x128xi32, #tpu.memory_space<hbm>> -> memref<1x10x128xi32, #tpu.memory_space<hbm>>
          %dma_start3A_542 = tpu.memref_squeeze %dma_start3A_541 : memref<1x10x128xi32, #tpu.memory_space<hbm>> -> memref<10x128xi32, #tpu.memory_space<hbm>>
          tpu.enqueue_dma source(%dma_start3A_542 : memref<10x128xi32, #tpu.memory_space<hbm>>) target(%arg5 : memref<10x128xi32, #tpu.memory_space<vmem>>) target_semaphore(%run_scoped3A : memref<!tpu.dma_semaphore, #tpu.memory_space<semaphore_mem>>)
          %dma_wait3A_543 = arith.constant 0 : i32
          %dma_wait3A_544 = arith.constant 0 : i32
          %dma_wait3A_545 = tpu.memref_slice %arg3[%add3A_434, %dma_wait3A_543, %dma_wait3A_544] : memref<832x20x128xi32, #tpu.memory_space<hbm>> -> memref<1x10x128xi32, #tpu.memory_space<hbm>>
          %dma_wait3A_546 = tpu.memref_squeeze %dma_wait3A_545 : memref<1x10x128xi32, #tpu.memory_space<hbm>> -> memref<10x128xi32, #tpu.memory_space<hbm>>
          %dma_wait3A_547 = arith.constant 0 : i32
          %dma_wait3A_548 = arith.constant 0 : i32
          %dma_wait3A_549 = tpu.memref_slice %arg3[%add3A_434, %dma_wait3A_547, %dma_wait3A_548] : memref<832x20x128xi32, #tpu.memory_space<hbm>> -> memref<1x10x128xi32, #tpu.memory_space<hbm>>
          %dma_wait3A_550 = tpu.memref_squeeze %dma_wait3A_549 : memref<1x10x128xi32, #tpu.memory_space<hbm>> -> memref<10x128xi32, #tpu.memory_space<hbm>>
          tpu.wait_dma2 semaphore(%run_scoped3A : memref<!tpu.dma_semaphore, #tpu.memory_space<semaphore_mem>>) src(%dma_wait3A_550 : memref<10x128xi32, #tpu.memory_space<hbm>>) dst(%arg5 : memref<10x128xi32, #tpu.memory_space<vmem>>)
          tpu.yield
        }) : () -> ()
        %dma_start3A_435 = arith.constant 0 : i32
        %dma_start3A_436 = arith.constant 0 : i32
        %dma_start3A_437 = arith.constant 0 : i32
        %dma_start3A_438 = tpu.memref_slice %arg7[%dma_start3A_436, %dma_start3A_437] : memref<1280x16xf32, #tpu.memory_space<vmem>> -> memref<128x16xf32, #tpu.memory_space<vmem>>
        %dma_start3A_439 = arith.constant 0 : i32
        %dma_start3A_440 = tpu.memref_slice %arg5[%dma_start3A_435, %dma_start3A_439] : memref<10x128xi32, #tpu.memory_space<vmem>> -> memref<1x128xi32, #tpu.memory_space<vmem>>
        %dma_start3A_441 = tpu.memref_squeeze %dma_start3A_440 : memref<1x128xi32, #tpu.memory_space<vmem>> -> memref<128xi32, #tpu.memory_space<vmem>>
        %dma_start3A_442 = arith.constant 0 : i32
        %dma_start3A_443 = arith.constant 0 : i32
        %dma_start3A_444 = tpu.memref_slice %arg2[%dma_start3A_442, %dma_start3A_443] : memref<2600000x16xf32, #tpu.memory_space<hbm>> -> memref<2600000x16xf32, #tpu.memory_space<hbm>>
        tpu.enqueue_indirect_dma source(%dma_start3A_444 : memref<2600000x16xf32, #tpu.memory_space<hbm>>) target(%dma_start3A_438 : memref<128x16xf32, #tpu.memory_space<vmem>>) offsets(%dma_start3A_441 : memref<128xi32, #tpu.memory_space<vmem>>) semaphore(%arg10 : memref<!tpu.dma_semaphore, #tpu.memory_space<semaphore_mem>>)
        %dma_start3A_445 = arith.constant 1 : i32
        %dma_start3A_446 = arith.constant 128 : i32
        %dma_start3A_447 = arith.constant 0 : i32
        %dma_start3A_448 = tpu.memref_slice %arg7[%dma_start3A_446, %dma_start3A_447] : memref<1280x16xf32, #tpu.memory_space<vmem>> -> memref<128x16xf32, #tpu.memory_space<vmem>>
        %dma_start3A_449 = arith.constant 0 : i32
        %dma_start3A_450 = tpu.memref_slice %arg5[%dma_start3A_445, %dma_start3A_449] : memref<10x128xi32, #tpu.memory_space<vmem>> -> memref<1x128xi32, #tpu.memory_space<vmem>>
        %dma_start3A_451 = tpu.memref_squeeze %dma_start3A_450 : memref<1x128xi32, #tpu.memory_space<vmem>> -> memref<128xi32, #tpu.memory_space<vmem>>
        %dma_start3A_452 = arith.constant 0 : i32
        %dma_start3A_453 = arith.constant 0 : i32
        %dma_start3A_454 = tpu.memref_slice %arg2[%dma_start3A_452, %dma_start3A_453] : memref<2600000x16xf32, #tpu.memory_space<hbm>> -> memref<2600000x16xf32, #tpu.memory_space<hbm>>
        tpu.enqueue_indirect_dma source(%dma_start3A_454 : memref<2600000x16xf32, #tpu.memory_space<hbm>>) target(%dma_start3A_448 : memref<128x16xf32, #tpu.memory_space<vmem>>) offsets(%dma_start3A_451 : memref<128xi32, #tpu.memory_space<vmem>>) semaphore(%arg10 : memref<!tpu.dma_semaphore, #tpu.memory_space<semaphore_mem>>)
        %dma_start3A_455 = arith.constant 2 : i32
        %dma_start3A_456 = arith.constant 256 : i32
        %dma_start3A_457 = arith.constant 0 : i32
        %dma_start3A_458 = tpu.memref_slice %arg7[%dma_start3A_456, %dma_start3A_457] : memref<1280x16xf32, #tpu.memory_space<vmem>> -> memref<128x16xf32, #tpu.memory_space<vmem>>
        %dma_start3A_459 = arith.constant 0 : i32
        %dma_start3A_460 = tpu.memref_slice %arg5[%dma_start3A_455, %dma_start3A_459] : memref<10x128xi32, #tpu.memory_space<vmem>> -> memref<1x128xi32, #tpu.memory_space<vmem>>
        %dma_start3A_461 = tpu.memref_squeeze %dma_start3A_460 : memref<1x128xi32, #tpu.memory_space<vmem>> -> memref<128xi32, #tpu.memory_space<vmem>>
        %dma_start3A_462 = arith.constant 0 : i32
        %dma_start3A_463 = arith.constant 0 : i32
        %dma_start3A_464 = tpu.memref_slice %arg2[%dma_start3A_462, %dma_start3A_463] : memref<2600000x16xf32, #tpu.memory_space<hbm>> -> memref<2600000x16xf32, #tpu.memory_space<hbm>>
        tpu.enqueue_indirect_dma source(%dma_start3A_464 : memref<2600000x16xf32, #tpu.memory_space<hbm>>) target(%dma_start3A_458 : memref<128x16xf32, #tpu.memory_space<vmem>>) offsets(%dma_start3A_461 : memref<128xi32, #tpu.memory_space<vmem>>) semaphore(%arg10 : memref<!tpu.dma_semaphore, #tpu.memory_space<semaphore_mem>>)
        %dma_start3A_465 = arith.constant 3 : i32
        %dma_start3A_466 = arith.constant 384 : i32
        %dma_start3A_467 = arith.constant 0 : i32
        %dma_start3A_468 = tpu.memref_slice %arg7[%dma_start3A_466, %dma_start3A_467] : memref<1280x16xf32, #tpu.memory_space<vmem>> -> memref<128x16xf32, #tpu.memory_space<vmem>>
        %dma_start3A_469 = arith.constant 0 : i32
        %dma_start3A_470 = tpu.memref_slice %arg5[%dma_start3A_465, %dma_start3A_469] : memref<10x128xi32, #tpu.memory_space<vmem>> -> memref<1x128xi32, #tpu.memory_space<vmem>>
        %dma_start3A_471 = tpu.memref_squeeze %dma_start3A_470 : memref<1x128xi32, #tpu.memory_space<vmem>> -> memref<128xi32, #tpu.memory_space<vmem>>
        %dma_start3A_472 = arith.constant 0 : i32
        %dma_start3A_473 = arith.constant 0 : i32
        %dma_start3A_474 = tpu.memref_slice %arg2[%dma_start3A_472, %dma_start3A_473] : memref<2600000x16xf32, #tpu.memory_space<hbm>> -> memref<2600000x16xf32, #tpu.memory_space<hbm>>
        tpu.enqueue_indirect_dma source(%dma_start3A_474 : memref<2600000x16xf32, #tpu.memory_space<hbm>>) target(%dma_start3A_468 : memref<128x16xf32, #tpu.memory_space<vmem>>) offsets(%dma_start3A_471 : memref<128xi32, #tpu.memory_space<vmem>>) semaphore(%arg10 : memref<!tpu.dma_semaphore, #tpu.memory_space<semaphore_mem>>)
        %dma_start3A_475 = arith.constant 4 : i32
        %dma_start3A_476 = arith.constant 512 : i32
        %dma_start3A_477 = arith.constant 0 : i32
        %dma_start3A_478 = tpu.memref_slice %arg7[%dma_start3A_476, %dma_start3A_477] : memref<1280x16xf32, #tpu.memory_space<vmem>> -> memref<128x16xf32, #tpu.memory_space<vmem>>
        %dma_start3A_479 = arith.constant 0 : i32
        %dma_start3A_480 = tpu.memref_slice %arg5[%dma_start3A_475, %dma_start3A_479] : memref<10x128xi32, #tpu.memory_space<vmem>> -> memref<1x128xi32, #tpu.memory_space<vmem>>
        %dma_start3A_481 = tpu.memref_squeeze %dma_start3A_480 : memref<1x128xi32, #tpu.memory_space<vmem>> -> memref<128xi32, #tpu.memory_space<vmem>>
        %dma_start3A_482 = arith.constant 0 : i32
        %dma_start3A_483 = arith.constant 0 : i32
        %dma_start3A_484 = tpu.memref_slice %arg2[%dma_start3A_482, %dma_start3A_483] : memref<2600000x16xf32, #tpu.memory_space<hbm>> -> memref<2600000x16xf32, #tpu.memory_space<hbm>>
        tpu.enqueue_indirect_dma source(%dma_start3A_484 : memref<2600000x16xf32, #tpu.memory_space<hbm>>) target(%dma_start3A_478 : memref<128x16xf32, #tpu.memory_space<vmem>>) offsets(%dma_start3A_481 : memref<128xi32, #tpu.memory_space<vmem>>) semaphore(%arg10 : memref<!tpu.dma_semaphore, #tpu.memory_space<semaphore_mem>>)
        %dma_start3A_485 = arith.constant 5 : i32
        %dma_start3A_486 = arith.constant 640 : i32
        %dma_start3A_487 = arith.constant 0 : i32
        %dma_start3A_488 = tpu.memref_slice %arg7[%dma_start3A_486, %dma_start3A_487] : memref<1280x16xf32, #tpu.memory_space<vmem>> -> memref<128x16xf32, #tpu.memory_space<vmem>>
        %dma_start3A_489 = arith.constant 0 : i32
        %dma_start3A_490 = tpu.memref_slice %arg5[%dma_start3A_485, %dma_start3A_489] : memref<10x128xi32, #tpu.memory_space<vmem>> -> memref<1x128xi32, #tpu.memory_space<vmem>>
        %dma_start3A_491 = tpu.memref_squeeze %dma_start3A_490 : memref<1x128xi32, #tpu.memory_space<vmem>> -> memref<128xi32, #tpu.memory_space<vmem>>
        %dma_start3A_492 = arith.constant 0 : i32
        %dma_start3A_493 = arith.constant 0 : i32
        %dma_start3A_494 = tpu.memref_slice %arg2[%dma_start3A_492, %dma_start3A_493] : memref<2600000x16xf32, #tpu.memory_space<hbm>> -> memref<2600000x16xf32, #tpu.memory_space<hbm>>
        tpu.enqueue_indirect_dma source(%dma_start3A_494 : memref<2600000x16xf32, #tpu.memory_space<hbm>>) target(%dma_start3A_488 : memref<128x16xf32, #tpu.memory_space<vmem>>) offsets(%dma_start3A_491 : memref<128xi32, #tpu.memory_space<vmem>>) semaphore(%arg10 : memref<!tpu.dma_semaphore, #tpu.memory_space<semaphore_mem>>)
        %dma_start3A_495 = arith.constant 6 : i32
        %dma_start3A_496 = arith.constant 768 : i32
        %dma_start3A_497 = arith.constant 0 : i32
        %dma_start3A_498 = tpu.memref_slice %arg7[%dma_start3A_496, %dma_start3A_497] : memref<1280x16xf32, #tpu.memory_space<vmem>> -> memref<128x16xf32, #tpu.memory_space<vmem>>
        %dma_start3A_499 = arith.constant 0 : i32
        %dma_start3A_500 = tpu.memref_slice %arg5[%dma_start3A_495, %dma_start3A_499] : memref<10x128xi32, #tpu.memory_space<vmem>> -> memref<1x128xi32, #tpu.memory_space<vmem>>
        %dma_start3A_501 = tpu.memref_squeeze %dma_start3A_500 : memref<1x128xi32, #tpu.memory_space<vmem>> -> memref<128xi32, #tpu.memory_space<vmem>>
        %dma_start3A_502 = arith.constant 0 : i32
        %dma_start3A_503 = arith.constant 0 : i32
        %dma_start3A_504 = tpu.memref_slice %arg2[%dma_start3A_502, %dma_start3A_503] : memref<2600000x16xf32, #tpu.memory_space<hbm>> -> memref<2600000x16xf32, #tpu.memory_space<hbm>>
        tpu.enqueue_indirect_dma source(%dma_start3A_504 : memref<2600000x16xf32, #tpu.memory_space<hbm>>) target(%dma_start3A_498 : memref<128x16xf32, #tpu.memory_space<vmem>>) offsets(%dma_start3A_501 : memref<128xi32, #tpu.memory_space<vmem>>) semaphore(%arg10 : memref<!tpu.dma_semaphore, #tpu.memory_space<semaphore_mem>>)
        %dma_start3A_505 = arith.constant 7 : i32
        %dma_start3A_506 = arith.constant 896 : i32
        %dma_start3A_507 = arith.constant 0 : i32
        %dma_start3A_508 = tpu.memref_slice %arg7[%dma_start3A_506, %dma_start3A_507] : memref<1280x16xf32, #tpu.memory_space<vmem>> -> memref<128x16xf32, #tpu.memory_space<vmem>>
        %dma_start3A_509 = arith.constant 0 : i32
        %dma_start3A_510 = tpu.memref_slice %arg5[%dma_start3A_505, %dma_start3A_509] : memref<10x128xi32, #tpu.memory_space<vmem>> -> memref<1x128xi32, #tpu.memory_space<vmem>>
        %dma_start3A_511 = tpu.memref_squeeze %dma_start3A_510 : memref<1x128xi32, #tpu.memory_space<vmem>> -> memref<128xi32, #tpu.memory_space<vmem>>
        %dma_start3A_512 = arith.constant 0 : i32
        %dma_start3A_513 = arith.constant 0 : i32
        %dma_start3A_514 = tpu.memref_slice %arg2[%dma_start3A_512, %dma_start3A_513] : memref<2600000x16xf32, #tpu.memory_space<hbm>> -> memref<2600000x16xf32, #tpu.memory_space<hbm>>
        tpu.enqueue_indirect_dma source(%dma_start3A_514 : memref<2600000x16xf32, #tpu.memory_space<hbm>>) target(%dma_start3A_508 : memref<128x16xf32, #tpu.memory_space<vmem>>) offsets(%dma_start3A_511 : memref<128xi32, #tpu.memory_space<vmem>>) semaphore(%arg10 : memref<!tpu.dma_semaphore, #tpu.memory_space<semaphore_mem>>)
        %dma_start3A_515 = arith.constant 8 : i32
        %dma_start3A_516 = arith.constant 1024 : i32
        %dma_start3A_517 = arith.constant 0 : i32
        %dma_start3A_518 = tpu.memref_slice %arg7[%dma_start3A_516, %dma_start3A_517] : memref<1280x16xf32, #tpu.memory_space<vmem>> -> memref<128x16xf32, #tpu.memory_space<vmem>>
        %dma_start3A_519 = arith.constant 0 : i32
        %dma_start3A_520 = tpu.memref_slice %arg5[%dma_start3A_515, %dma_start3A_519] : memref<10x128xi32, #tpu.memory_space<vmem>> -> memref<1x128xi32, #tpu.memory_space<vmem>>
        %dma_start3A_521 = tpu.memref_squeeze %dma_start3A_520 : memref<1x128xi32, #tpu.memory_space<vmem>> -> memref<128xi32, #tpu.memory_space<vmem>>
        %dma_start3A_522 = arith.constant 0 : i32
        %dma_start3A_523 = arith.constant 0 : i32
        %dma_start3A_524 = tpu.memref_slice %arg2[%dma_start3A_522, %dma_start3A_523] : memref<2600000x16xf32, #tpu.memory_space<hbm>> -> memref<2600000x16xf32, #tpu.memory_space<hbm>>
        tpu.enqueue_indirect_dma source(%dma_start3A_524 : memref<2600000x16xf32, #tpu.memory_space<hbm>>) target(%dma_start3A_518 : memref<128x16xf32, #tpu.memory_space<vmem>>) offsets(%dma_start3A_521 : memref<128xi32, #tpu.memory_space<vmem>>) semaphore(%arg10 : memref<!tpu.dma_semaphore, #tpu.memory_space<semaphore_mem>>)
        %dma_start3A_525 = arith.constant 9 : i32
        %dma_start3A_526 = arith.constant 1152 : i32
        %dma_start3A_527 = arith.constant 0 : i32
        %dma_start3A_528 = tpu.memref_slice %arg7[%dma_start3A_526, %dma_start3A_527] : memref<1280x16xf32, #tpu.memory_space<vmem>> -> memref<128x16xf32, #tpu.memory_space<vmem>>
        %dma_start3A_529 = arith.constant 0 : i32
        %dma_start3A_530 = tpu.memref_slice %arg5[%dma_start3A_525, %dma_start3A_529] : memref<10x128xi32, #tpu.memory_space<vmem>> -> memref<1x128xi32, #tpu.memory_space<vmem>>
        %dma_start3A_531 = tpu.memref_squeeze %dma_start3A_530 : memref<1x128xi32, #tpu.memory_space<vmem>> -> memref<128xi32, #tpu.memory_space<vmem>>
        %dma_start3A_532 = arith.constant 0 : i32
        %dma_start3A_533 = arith.constant 0 : i32
        %dma_start3A_534 = tpu.memref_slice %arg2[%dma_start3A_532, %dma_start3A_533] : memref<2600000x16xf32, #tpu.memory_space<hbm>> -> memref<2600000x16xf32, #tpu.memory_space<hbm>>
        tpu.enqueue_indirect_dma source(%dma_start3A_534 : memref<2600000x16xf32, #tpu.memory_space<hbm>>) target(%dma_start3A_528 : memref<128x16xf32, #tpu.memory_space<vmem>>) offsets(%dma_start3A_531 : memref<128xi32, #tpu.memory_space<vmem>>) semaphore(%arg10 : memref<!tpu.dma_semaphore, #tpu.memory_space<semaphore_mem>>)
      } else {
      }
      %dma_wait3A_319 = arith.constant 0 : i32
      %dma_wait3A_320 = arith.constant 0 : i32
      %dma_wait3A_321 = arith.constant 0 : i32
      %dma_wait3A_322 = tpu.memref_slice %arg8[%dma_wait3A_320, %dma_wait3A_321] : memref<1280x16xf32, #tpu.memory_space<vmem>> -> memref<128x16xf32, #tpu.memory_space<vmem>>
      %dma_wait3A_323 = arith.constant 0 : i32
      %dma_wait3A_324 = tpu.memref_slice %arg6[%dma_wait3A_319, %dma_wait3A_323] : memref<10x128xi32, #tpu.memory_space<vmem>> -> memref<1x128xi32, #tpu.memory_space<vmem>>
      %dma_wait3A_325 = tpu.memref_squeeze %dma_wait3A_324 : memref<1x128xi32, #tpu.memory_space<vmem>> -> memref<128xi32, #tpu.memory_space<vmem>>
      %dma_wait3A_326 = arith.constant 0 : i32
      %dma_wait3A_327 = arith.constant 0 : i32
      %dma_wait3A_328 = tpu.memref_slice %arg2[%dma_wait3A_326, %dma_wait3A_327] : memref<2600000x16xf32, #tpu.memory_space<hbm>> -> memref<2600000x16xf32, #tpu.memory_space<hbm>>
      tpu.wait_indirect_dma semaphore(%arg11 : memref<!tpu.dma_semaphore, #tpu.memory_space<semaphore_mem>>) src(%dma_wait3A_328 : memref<2600000x16xf32, #tpu.memory_space<hbm>>) dst(%dma_wait3A_322 : memref<128x16xf32, #tpu.memory_space<vmem>>)
      %dma_wait3A_329 = arith.constant 1 : i32
      %dma_wait3A_330 = arith.constant 128 : i32
      %dma_wait3A_331 = arith.constant 0 : i32
      %dma_wait3A_332 = tpu.memref_slice %arg8[%dma_wait3A_330, %dma_wait3A_331] : memref<1280x16xf32, #tpu.memory_space<vmem>> -> memref<128x16xf32, #tpu.memory_space<vmem>>
      %dma_wait3A_333 = arith.constant 0 : i32
      %dma_wait3A_334 = tpu.memref_slice %arg6[%dma_wait3A_329, %dma_wait3A_333] : memref<10x128xi32, #tpu.memory_space<vmem>> -> memref<1x128xi32, #tpu.memory_space<vmem>>
      %dma_wait3A_335 = tpu.memref_squeeze %dma_wait3A_334 : memref<1x128xi32, #tpu.memory_space<vmem>> -> memref<128xi32, #tpu.memory_space<vmem>>
      %dma_wait3A_336 = arith.constant 0 : i32
      %dma_wait3A_337 = arith.constant 0 : i32
      %dma_wait3A_338 = tpu.memref_slice %arg2[%dma_wait3A_336, %dma_wait3A_337] : memref<2600000x16xf32, #tpu.memory_space<hbm>> -> memref<2600000x16xf32, #tpu.memory_space<hbm>>
      tpu.wait_indirect_dma semaphore(%arg11 : memref<!tpu.dma_semaphore, #tpu.memory_space<semaphore_mem>>) src(%dma_wait3A_338 : memref<2600000x16xf32, #tpu.memory_space<hbm>>) dst(%dma_wait3A_332 : memref<128x16xf32, #tpu.memory_space<vmem>>)
      %dma_wait3A_339 = arith.constant 2 : i32
      %dma_wait3A_340 = arith.constant 256 : i32
      %dma_wait3A_341 = arith.constant 0 : i32
      %dma_wait3A_342 = tpu.memref_slice %arg8[%dma_wait3A_340, %dma_wait3A_341] : memref<1280x16xf32, #tpu.memory_space<vmem>> -> memref<128x16xf32, #tpu.memory_space<vmem>>
      %dma_wait3A_343 = arith.constant 0 : i32
      %dma_wait3A_344 = tpu.memref_slice %arg6[%dma_wait3A_339, %dma_wait3A_343] : memref<10x128xi32, #tpu.memory_space<vmem>> -> memref<1x128xi32, #tpu.memory_space<vmem>>
      %dma_wait3A_345 = tpu.memref_squeeze %dma_wait3A_344 : memref<1x128xi32, #tpu.memory_space<vmem>> -> memref<128xi32, #tpu.memory_space<vmem>>
      %dma_wait3A_346 = arith.constant 0 : i32
      %dma_wait3A_347 = arith.constant 0 : i32
      %dma_wait3A_348 = tpu.memref_slice %arg2[%dma_wait3A_346, %dma_wait3A_347] : memref<2600000x16xf32, #tpu.memory_space<hbm>> -> memref<2600000x16xf32, #tpu.memory_space<hbm>>
      tpu.wait_indirect_dma semaphore(%arg11 : memref<!tpu.dma_semaphore, #tpu.memory_space<semaphore_mem>>) src(%dma_wait3A_348 : memref<2600000x16xf32, #tpu.memory_space<hbm>>) dst(%dma_wait3A_342 : memref<128x16xf32, #tpu.memory_space<vmem>>)
      %dma_wait3A_349 = arith.constant 3 : i32
      %dma_wait3A_350 = arith.constant 384 : i32
      %dma_wait3A_351 = arith.constant 0 : i32
      %dma_wait3A_352 = tpu.memref_slice %arg8[%dma_wait3A_350, %dma_wait3A_351] : memref<1280x16xf32, #tpu.memory_space<vmem>> -> memref<128x16xf32, #tpu.memory_space<vmem>>
      %dma_wait3A_353 = arith.constant 0 : i32
      %dma_wait3A_354 = tpu.memref_slice %arg6[%dma_wait3A_349, %dma_wait3A_353] : memref<10x128xi32, #tpu.memory_space<vmem>> -> memref<1x128xi32, #tpu.memory_space<vmem>>
      %dma_wait3A_355 = tpu.memref_squeeze %dma_wait3A_354 : memref<1x128xi32, #tpu.memory_space<vmem>> -> memref<128xi32, #tpu.memory_space<vmem>>
      %dma_wait3A_356 = arith.constant 0 : i32
      %dma_wait3A_357 = arith.constant 0 : i32
      %dma_wait3A_358 = tpu.memref_slice %arg2[%dma_wait3A_356, %dma_wait3A_357] : memref<2600000x16xf32, #tpu.memory_space<hbm>> -> memref<2600000x16xf32, #tpu.memory_space<hbm>>
      tpu.wait_indirect_dma semaphore(%arg11 : memref<!tpu.dma_semaphore, #tpu.memory_space<semaphore_mem>>) src(%dma_wait3A_358 : memref<2600000x16xf32, #tpu.memory_space<hbm>>) dst(%dma_wait3A_352 : memref<128x16xf32, #tpu.memory_space<vmem>>)
      %dma_wait3A_359 = arith.constant 4 : i32
      %dma_wait3A_360 = arith.constant 512 : i32
      %dma_wait3A_361 = arith.constant 0 : i32
      %dma_wait3A_362 = tpu.memref_slice %arg8[%dma_wait3A_360, %dma_wait3A_361] : memref<1280x16xf32, #tpu.memory_space<vmem>> -> memref<128x16xf32, #tpu.memory_space<vmem>>
      %dma_wait3A_363 = arith.constant 0 : i32
      %dma_wait3A_364 = tpu.memref_slice %arg6[%dma_wait3A_359, %dma_wait3A_363] : memref<10x128xi32, #tpu.memory_space<vmem>> -> memref<1x128xi32, #tpu.memory_space<vmem>>
      %dma_wait3A_365 = tpu.memref_squeeze %dma_wait3A_364 : memref<1x128xi32, #tpu.memory_space<vmem>> -> memref<128xi32, #tpu.memory_space<vmem>>
      %dma_wait3A_366 = arith.constant 0 : i32
      %dma_wait3A_367 = arith.constant 0 : i32
      %dma_wait3A_368 = tpu.memref_slice %arg2[%dma_wait3A_366, %dma_wait3A_367] : memref<2600000x16xf32, #tpu.memory_space<hbm>> -> memref<2600000x16xf32, #tpu.memory_space<hbm>>
      tpu.wait_indirect_dma semaphore(%arg11 : memref<!tpu.dma_semaphore, #tpu.memory_space<semaphore_mem>>) src(%dma_wait3A_368 : memref<2600000x16xf32, #tpu.memory_space<hbm>>) dst(%dma_wait3A_362 : memref<128x16xf32, #tpu.memory_space<vmem>>)
      %dma_wait3A_369 = arith.constant 5 : i32
      %dma_wait3A_370 = arith.constant 640 : i32
      %dma_wait3A_371 = arith.constant 0 : i32
      %dma_wait3A_372 = tpu.memref_slice %arg8[%dma_wait3A_370, %dma_wait3A_371] : memref<1280x16xf32, #tpu.memory_space<vmem>> -> memref<128x16xf32, #tpu.memory_space<vmem>>
      %dma_wait3A_373 = arith.constant 0 : i32
      %dma_wait3A_374 = tpu.memref_slice %arg6[%dma_wait3A_369, %dma_wait3A_373] : memref<10x128xi32, #tpu.memory_space<vmem>> -> memref<1x128xi32, #tpu.memory_space<vmem>>
      %dma_wait3A_375 = tpu.memref_squeeze %dma_wait3A_374 : memref<1x128xi32, #tpu.memory_space<vmem>> -> memref<128xi32, #tpu.memory_space<vmem>>
      %dma_wait3A_376 = arith.constant 0 : i32
      %dma_wait3A_377 = arith.constant 0 : i32
      %dma_wait3A_378 = tpu.memref_slice %arg2[%dma_wait3A_376, %dma_wait3A_377] : memref<2600000x16xf32, #tpu.memory_space<hbm>> -> memref<2600000x16xf32, #tpu.memory_space<hbm>>
      tpu.wait_indirect_dma semaphore(%arg11 : memref<!tpu.dma_semaphore, #tpu.memory_space<semaphore_mem>>) src(%dma_wait3A_378 : memref<2600000x16xf32, #tpu.memory_space<hbm>>) dst(%dma_wait3A_372 : memref<128x16xf32, #tpu.memory_space<vmem>>)
      %dma_wait3A_379 = arith.constant 6 : i32
      %dma_wait3A_380 = arith.constant 768 : i32
      %dma_wait3A_381 = arith.constant 0 : i32
      %dma_wait3A_382 = tpu.memref_slice %arg8[%dma_wait3A_380, %dma_wait3A_381] : memref<1280x16xf32, #tpu.memory_space<vmem>> -> memref<128x16xf32, #tpu.memory_space<vmem>>
      %dma_wait3A_383 = arith.constant 0 : i32
      %dma_wait3A_384 = tpu.memref_slice %arg6[%dma_wait3A_379, %dma_wait3A_383] : memref<10x128xi32, #tpu.memory_space<vmem>> -> memref<1x128xi32, #tpu.memory_space<vmem>>
      %dma_wait3A_385 = tpu.memref_squeeze %dma_wait3A_384 : memref<1x128xi32, #tpu.memory_space<vmem>> -> memref<128xi32, #tpu.memory_space<vmem>>
      %dma_wait3A_386 = arith.constant 0 : i32
      %dma_wait3A_387 = arith.constant 0 : i32
      %dma_wait3A_388 = tpu.memref_slice %arg2[%dma_wait3A_386, %dma_wait3A_387] : memref<2600000x16xf32, #tpu.memory_space<hbm>> -> memref<2600000x16xf32, #tpu.memory_space<hbm>>
      tpu.wait_indirect_dma semaphore(%arg11 : memref<!tpu.dma_semaphore, #tpu.memory_space<semaphore_mem>>) src(%dma_wait3A_388 : memref<2600000x16xf32, #tpu.memory_space<hbm>>) dst(%dma_wait3A_382 : memref<128x16xf32, #tpu.memory_space<vmem>>)
      %dma_wait3A_389 = arith.constant 7 : i32
      %dma_wait3A_390 = arith.constant 896 : i32
      %dma_wait3A_391 = arith.constant 0 : i32
      %dma_wait3A_392 = tpu.memref_slice %arg8[%dma_wait3A_390, %dma_wait3A_391] : memref<1280x16xf32, #tpu.memory_space<vmem>> -> memref<128x16xf32, #tpu.memory_space<vmem>>
      %dma_wait3A_393 = arith.constant 0 : i32
      %dma_wait3A_394 = tpu.memref_slice %arg6[%dma_wait3A_389, %dma_wait3A_393] : memref<10x128xi32, #tpu.memory_space<vmem>> -> memref<1x128xi32, #tpu.memory_space<vmem>>
      %dma_wait3A_395 = tpu.memref_squeeze %dma_wait3A_394 : memref<1x128xi32, #tpu.memory_space<vmem>> -> memref<128xi32, #tpu.memory_space<vmem>>
      %dma_wait3A_396 = arith.constant 0 : i32
      %dma_wait3A_397 = arith.constant 0 : i32
      %dma_wait3A_398 = tpu.memref_slice %arg2[%dma_wait3A_396, %dma_wait3A_397] : memref<2600000x16xf32, #tpu.memory_space<hbm>> -> memref<2600000x16xf32, #tpu.memory_space<hbm>>
      tpu.wait_indirect_dma semaphore(%arg11 : memref<!tpu.dma_semaphore, #tpu.memory_space<semaphore_mem>>) src(%dma_wait3A_398 : memref<2600000x16xf32, #tpu.memory_space<hbm>>) dst(%dma_wait3A_392 : memref<128x16xf32, #tpu.memory_space<vmem>>)
      %dma_wait3A_399 = arith.constant 8 : i32
      %dma_wait3A_400 = arith.constant 1024 : i32
      %dma_wait3A_401 = arith.constant 0 : i32
      %dma_wait3A_402 = tpu.memref_slice %arg8[%dma_wait3A_400, %dma_wait3A_401] : memref<1280x16xf32, #tpu.memory_space<vmem>> -> memref<128x16xf32, #tpu.memory_space<vmem>>
      %dma_wait3A_403 = arith.constant 0 : i32
      %dma_wait3A_404 = tpu.memref_slice %arg6[%dma_wait3A_399, %dma_wait3A_403] : memref<10x128xi32, #tpu.memory_space<vmem>> -> memref<1x128xi32, #tpu.memory_space<vmem>>
      %dma_wait3A_405 = tpu.memref_squeeze %dma_wait3A_404 : memref<1x128xi32, #tpu.memory_space<vmem>> -> memref<128xi32, #tpu.memory_space<vmem>>
      %dma_wait3A_406 = arith.constant 0 : i32
      %dma_wait3A_407 = arith.constant 0 : i32
      %dma_wait3A_408 = tpu.memref_slice %arg2[%dma_wait3A_406, %dma_wait3A_407] : memref<2600000x16xf32, #tpu.memory_space<hbm>> -> memref<2600000x16xf32, #tpu.memory_space<hbm>>
      tpu.wait_indirect_dma semaphore(%arg11 : memref<!tpu.dma_semaphore, #tpu.memory_space<semaphore_mem>>) src(%dma_wait3A_408 : memref<2600000x16xf32, #tpu.memory_space<hbm>>) dst(%dma_wait3A_402 : memref<128x16xf32, #tpu.memory_space<vmem>>)
      %dma_wait3A_409 = arith.constant 9 : i32
      %dma_wait3A_410 = arith.constant 1152 : i32
      %dma_wait3A_411 = arith.constant 0 : i32
      %dma_wait3A_412 = tpu.memref_slice %arg8[%dma_wait3A_410, %dma_wait3A_411] : memref<1280x16xf32, #tpu.memory_space<vmem>> -> memref<128x16xf32, #tpu.memory_space<vmem>>
      %dma_wait3A_413 = arith.constant 0 : i32
      %dma_wait3A_414 = tpu.memref_slice %arg6[%dma_wait3A_409, %dma_wait3A_413] : memref<10x128xi32, #tpu.memory_space<vmem>> -> memref<1x128xi32, #tpu.memory_space<vmem>>
      %dma_wait3A_415 = tpu.memref_squeeze %dma_wait3A_414 : memref<1x128xi32, #tpu.memory_space<vmem>> -> memref<128xi32, #tpu.memory_space<vmem>>
      %dma_wait3A_416 = arith.constant 0 : i32
      %dma_wait3A_417 = arith.constant 0 : i32
      %dma_wait3A_418 = tpu.memref_slice %arg2[%dma_wait3A_416, %dma_wait3A_417] : memref<2600000x16xf32, #tpu.memory_space<hbm>> -> memref<2600000x16xf32, #tpu.memory_space<hbm>>
      tpu.wait_indirect_dma semaphore(%arg11 : memref<!tpu.dma_semaphore, #tpu.memory_space<semaphore_mem>>) src(%dma_wait3A_418 : memref<2600000x16xf32, #tpu.memory_space<hbm>>) dst(%dma_wait3A_412 : memref<128x16xf32, #tpu.memory_space<vmem>>)
      %scan3A_419 = arith.constant 0 : i32
      %scan3A_420 = arith.constant 0 : i32
      %scan3A_421 = arith.constant 32 : i32
      %scan3A_422 = arith.addi %scan3A_420, %scan3A_421 : i32
      %scan3A_423 = arith.constant 1 : i32
      scf.for %scan3A_430 = %scan3A_420 to %scan3A_422 step %scan3A_423  : i32 {
        %mul3A_431 = arith.constant 2 : i32
        %mul3A_432 = arith.muli %scan3A_430, %mul3A_431 : i32
        %mul3A_433 = arith.constant 20 : i32
        %mul3A_434 = arith.muli %mul3A_432, %mul3A_433 : i32
        %add3A_435 = arith.constant 20 : i32
        %add3A_436 = arith.addi %mul3A_434, %add3A_435 : i32
        %get3A = arith.index_cast %mul3A_434 : i32 to index
        %get3A_437 = arith.constant 0 : index
        %get3A_438 = tpu.vector_load %arg8[%get3A, %get3A_437] {strides = array<i32>} : memref<1280x16xf32, #tpu.memory_space<vmem>>, vector<1x16xf32>,
        %get3A_439 = vector.shape_cast %get3A_438 : vector<1x16xf32> to vector<16xf32>
        %get3A_440 = arith.index_cast %add3A_436 : i32 to index
        %get3A_441 = arith.constant 0 : index
        %get3A_442 = tpu.vector_load %arg8[%get3A_440, %get3A_441] {strides = array<i32>} : memref<1280x16xf32, #tpu.memory_space<vmem>>, vector<1x16xf32>,
        %get3A_443 = vector.shape_cast %get3A_442 : vector<1x16xf32> to vector<16xf32>
        %add3A_444 = arith.constant 1 : i32
        %add3A_445 = arith.addi %mul3A_434, %add3A_444 : i32
        %get3A_446 = arith.index_cast %add3A_445 : i32 to index
        %get3A_447 = arith.constant 0 : index
        %get3A_448 = tpu.vector_load %arg8[%get3A_446, %get3A_447] {strides = array<i32>} : memref<1280x16xf32, #tpu.memory_space<vmem>>, vector<1x16xf32>,
        %get3A_449 = vector.shape_cast %get3A_448 : vector<1x16xf32> to vector<16xf32>
        %add3A_450 = arith.addf %get3A_439, %get3A_449 : vector<16xf32>
        %add3A_451 = arith.constant 1 : i32
        %add3A_452 = arith.addi %add3A_436, %add3A_451 : i32
        %get3A_453 = arith.index_cast %add3A_452 : i32 to index
        %get3A_454 = arith.constant 0 : index
        %get3A_455 = tpu.vector_load %arg8[%get3A_453, %get3A_454] {strides = array<i32>} : memref<1280x16xf32, #tpu.memory_space<vmem>>, vector<1x16xf32>,
        %get3A_456 = vector.shape_cast %get3A_455 : vector<1x16xf32> to vector<16xf32>
        %add3A_457 = arith.addf %get3A_443, %get3A_456 : vector<16xf32>
        %add3A_458 = arith.constant 2 : i32
        %add3A_459 = arith.addi %mul3A_434, %add3A_458 : i32
        %get3A_460 = arith.index_cast %add3A_459 : i32 to index
        %get3A_461 = arith.constant 0 : index
        %get3A_462 = tpu.vector_load %arg8[%get3A_460, %get3A_461] {strides = array<i32>} : memref<1280x16xf32, #tpu.memory_space<vmem>>, vector<1x16xf32>,
        %get3A_463 = vector.shape_cast %get3A_462 : vector<1x16xf32> to vector<16xf32>
        %add3A_464 = arith.addf %add3A_450, %get3A_463 : vector<16xf32>
        %add3A_465 = arith.constant 2 : i32
        %add3A_466 = arith.addi %add3A_436, %add3A_465 : i32
        %get3A_467 = arith.index_cast %add3A_466 : i32 to index
        %get3A_468 = arith.constant 0 : index
        %get3A_469 = tpu.vector_load %arg8[%get3A_467, %get3A_468] {strides = array<i32>} : memref<1280x16xf32, #tpu.memory_space<vmem>>, vector<1x16xf32>,
        %get3A_470 = vector.shape_cast %get3A_469 : vector<1x16xf32> to vector<16xf32>
        %add3A_471 = arith.addf %add3A_457, %get3A_470 : vector<16xf32>
        %add3A_472 = arith.constant 3 : i32
        %add3A_473 = arith.addi %mul3A_434, %add3A_472 : i32
        %get3A_474 = arith.index_cast %add3A_473 : i32 to index
        %get3A_475 = arith.constant 0 : index
        %get3A_476 = tpu.vector_load %arg8[%get3A_474, %get3A_475] {strides = array<i32>} : memref<1280x16xf32, #tpu.memory_space<vmem>>, vector<1x16xf32>,
        %get3A_477 = vector.shape_cast %get3A_476 : vector<1x16xf32> to vector<16xf32>
        %add3A_478 = arith.addf %add3A_464, %get3A_477 : vector<16xf32>
        %add3A_479 = arith.constant 3 : i32
        %add3A_480 = arith.addi %add3A_436, %add3A_479 : i32
        %get3A_481 = arith.index_cast %add3A_480 : i32 to index
        %get3A_482 = arith.constant 0 : index
        %get3A_483 = tpu.vector_load %arg8[%get3A_481, %get3A_482] {strides = array<i32>} : memref<1280x16xf32, #tpu.memory_space<vmem>>, vector<1x16xf32>,
        %get3A_484 = vector.shape_cast %get3A_483 : vector<1x16xf32> to vector<16xf32>
        %add3A_485 = arith.addf %add3A_471, %get3A_484 : vector<16xf32>
        %add3A_486 = arith.constant 4 : i32
        %add3A_487 = arith.addi %mul3A_434, %add3A_486 : i32
        %get3A_488 = arith.index_cast %add3A_487 : i32 to index
        %get3A_489 = arith.constant 0 : index
        %get3A_490 = tpu.vector_load %arg8[%get3A_488, %get3A_489] {strides = array<i32>} : memref<1280x16xf32, #tpu.memory_space<vmem>>, vector<1x16xf32>,
        %get3A_491 = vector.shape_cast %get3A_490 : vector<1x16xf32> to vector<16xf32>
        %add3A_492 = arith.addf %add3A_478, %get3A_491 : vector<16xf32>
        %add3A_493 = arith.constant 4 : i32
        %add3A_494 = arith.addi %add3A_436, %add3A_493 : i32
        %get3A_495 = arith.index_cast %add3A_494 : i32 to index
        %get3A_496 = arith.constant 0 : index
        %get3A_497 = tpu.vector_load %arg8[%get3A_495, %get3A_496] {strides = array<i32>} : memref<1280x16xf32, #tpu.memory_space<vmem>>, vector<1x16xf32>,
        %get3A_498 = vector.shape_cast %get3A_497 : vector<1x16xf32> to vector<16xf32>
        %add3A_499 = arith.addf %add3A_485, %get3A_498 : vector<16xf32>
        %add3A_500 = arith.constant 5 : i32
        %add3A_501 = arith.addi %mul3A_434, %add3A_500 : i32
        %get3A_502 = arith.index_cast %add3A_501 : i32 to index
        %get3A_503 = arith.constant 0 : index
        %get3A_504 = tpu.vector_load %arg8[%get3A_502, %get3A_503] {strides = array<i32>} : memref<1280x16xf32, #tpu.memory_space<vmem>>, vector<1x16xf32>,
        %get3A_505 = vector.shape_cast %get3A_504 : vector<1x16xf32> to vector<16xf32>
        %add3A_506 = arith.addf %add3A_492, %get3A_505 : vector<16xf32>
        %add3A_507 = arith.constant 5 : i32
        %add3A_508 = arith.addi %add3A_436, %add3A_507 : i32
        %get3A_509 = arith.index_cast %add3A_508 : i32 to index
        %get3A_510 = arith.constant 0 : index
        %get3A_511 = tpu.vector_load %arg8[%get3A_509, %get3A_510] {strides = array<i32>} : memref<1280x16xf32, #tpu.memory_space<vmem>>, vector<1x16xf32>,
        %get3A_512 = vector.shape_cast %get3A_511 : vector<1x16xf32> to vector<16xf32>
        %add3A_513 = arith.addf %add3A_499, %get3A_512 : vector<16xf32>
        %add3A_514 = arith.constant 6 : i32
        %add3A_515 = arith.addi %mul3A_434, %add3A_514 : i32
        %get3A_516 = arith.index_cast %add3A_515 : i32 to index
        %get3A_517 = arith.constant 0 : index
        %get3A_518 = tpu.vector_load %arg8[%get3A_516, %get3A_517] {strides = array<i32>} : memref<1280x16xf32, #tpu.memory_space<vmem>>, vector<1x16xf32>,
        %get3A_519 = vector.shape_cast %get3A_518 : vector<1x16xf32> to vector<16xf32>
        %add3A_520 = arith.addf %add3A_506, %get3A_519 : vector<16xf32>
        %add3A_521 = arith.constant 6 : i32
        %add3A_522 = arith.addi %add3A_436, %add3A_521 : i32
        %get3A_523 = arith.index_cast %add3A_522 : i32 to index
        %get3A_524 = arith.constant 0 : index
        %get3A_525 = tpu.vector_load %arg8[%get3A_523, %get3A_524] {strides = array<i32>} : memref<1280x16xf32, #tpu.memory_space<vmem>>, vector<1x16xf32>,
        %get3A_526 = vector.shape_cast %get3A_525 : vector<1x16xf32> to vector<16xf32>
        %add3A_527 = arith.addf %add3A_513, %get3A_526 : vector<16xf32>
        %add3A_528 = arith.constant 7 : i32
        %add3A_529 = arith.addi %mul3A_434, %add3A_528 : i32
        %get3A_530 = arith.index_cast %add3A_529 : i32 to index
        %get3A_531 = arith.constant 0 : index
        %get3A_532 = tpu.vector_load %arg8[%get3A_530, %get3A_531] {strides = array<i32>} : memref<1280x16xf32, #tpu.memory_space<vmem>>, vector<1x16xf32>,
        %get3A_533 = vector.shape_cast %get3A_532 : vector<1x16xf32> to vector<16xf32>
        %add3A_534 = arith.addf %add3A_520, %get3A_533 : vector<16xf32>
        %add3A_535 = arith.constant 7 : i32
        %add3A_536 = arith.addi %add3A_436, %add3A_535 : i32
        %get3A_537 = arith.index_cast %add3A_536 : i32 to index
        %get3A_538 = arith.constant 0 : index
        %get3A_539 = tpu.vector_load %arg8[%get3A_537, %get3A_538] {strides = array<i32>} : memref<1280x16xf32, #tpu.memory_space<vmem>>, vector<1x16xf32>,
        %get3A_540 = vector.shape_cast %get3A_539 : vector<1x16xf32> to vector<16xf32>
        %add3A_541 = arith.addf %add3A_527, %get3A_540 : vector<16xf32>
        %add3A_542 = arith.constant 8 : i32
        %add3A_543 = arith.addi %mul3A_434, %add3A_542 : i32
        %get3A_544 = arith.index_cast %add3A_543 : i32 to index
        %get3A_545 = arith.constant 0 : index
        %get3A_546 = tpu.vector_load %arg8[%get3A_544, %get3A_545] {strides = array<i32>} : memref<1280x16xf32, #tpu.memory_space<vmem>>, vector<1x16xf32>,
        %get3A_547 = vector.shape_cast %get3A_546 : vector<1x16xf32> to vector<16xf32>
        %add3A_548 = arith.addf %add3A_534, %get3A_547 : vector<16xf32>
        %add3A_549 = arith.constant 8 : i32
        %add3A_550 = arith.addi %add3A_436, %add3A_549 : i32
        %get3A_551 = arith.index_cast %add3A_550 : i32 to index
        %get3A_552 = arith.constant 0 : index
        %get3A_553 = tpu.vector_load %arg8[%get3A_551, %get3A_552] {strides = array<i32>} : memref<1280x16xf32, #tpu.memory_space<vmem>>, vector<1x16xf32>,
        %get3A_554 = vector.shape_cast %get3A_553 : vector<1x16xf32> to vector<16xf32>
        %add3A_555 = arith.addf %add3A_541, %get3A_554 : vector<16xf32>
        %add3A_556 = arith.constant 9 : i32
        %add3A_557 = arith.addi %mul3A_434, %add3A_556 : i32
        %get3A_558 = arith.index_cast %add3A_557 : i32 to index
        %get3A_559 = arith.constant 0 : index
        %get3A_560 = tpu.vector_load %arg8[%get3A_558, %get3A_559] {strides = array<i32>} : memref<1280x16xf32, #tpu.memory_space<vmem>>, vector<1x16xf32>,
        %get3A_561 = vector.shape_cast %get3A_560 : vector<1x16xf32> to vector<16xf32>
        %add3A_562 = arith.addf %add3A_548, %get3A_561 : vector<16xf32>
        %add3A_563 = arith.constant 9 : i32
        %add3A_564 = arith.addi %add3A_436, %add3A_563 : i32
        %get3A_565 = arith.index_cast %add3A_564 : i32 to index
        %get3A_566 = arith.constant 0 : index
        %get3A_567 = tpu.vector_load %arg8[%get3A_565, %get3A_566] {strides = array<i32>} : memref<1280x16xf32, #tpu.memory_space<vmem>>, vector<1x16xf32>,
        %get3A_568 = vector.shape_cast %get3A_567 : vector<1x16xf32> to vector<16xf32>
        %add3A_569 = arith.addf %add3A_555, %get3A_568 : vector<16xf32>
        %add3A_570 = arith.constant 10 : i32
        %add3A_571 = arith.addi %mul3A_434, %add3A_570 : i32
        %get3A_572 = arith.index_cast %add3A_571 : i32 to index
        %get3A_573 = arith.constant 0 : index
        %get3A_574 = tpu.vector_load %arg8[%get3A_572, %get3A_573] {strides = array<i32>} : memref<1280x16xf32, #tpu.memory_space<vmem>>, vector<1x16xf32>,
        %get3A_575 = vector.shape_cast %get3A_574 : vector<1x16xf32> to vector<16xf32>
        %add3A_576 = arith.addf %add3A_562, %get3A_575 : vector<16xf32>
        %add3A_577 = arith.constant 10 : i32
        %add3A_578 = arith.addi %add3A_436, %add3A_577 : i32
        %get3A_579 = arith.index_cast %add3A_578 : i32 to index
        %get3A_580 = arith.constant 0 : index
        %get3A_581 = tpu.vector_load %arg8[%get3A_579, %get3A_580] {strides = array<i32>} : memref<1280x16xf32, #tpu.memory_space<vmem>>, vector<1x16xf32>,
        %get3A_582 = vector.shape_cast %get3A_581 : vector<1x16xf32> to vector<16xf32>
        %add3A_583 = arith.addf %add3A_569, %get3A_582 : vector<16xf32>
        %add3A_584 = arith.constant 11 : i32
        %add3A_585 = arith.addi %mul3A_434, %add3A_584 : i32
        %get3A_586 = arith.index_cast %add3A_585 : i32 to index
        %get3A_587 = arith.constant 0 : index
        %get3A_588 = tpu.vector_load %arg8[%get3A_586, %get3A_587] {strides = array<i32>} : memref<1280x16xf32, #tpu.memory_space<vmem>>, vector<1x16xf32>,
        %get3A_589 = vector.shape_cast %get3A_588 : vector<1x16xf32> to vector<16xf32>
        %add3A_590 = arith.addf %add3A_576, %get3A_589 : vector<16xf32>
        %add3A_591 = arith.constant 11 : i32
        %add3A_592 = arith.addi %add3A_436, %add3A_591 : i32
        %get3A_593 = arith.index_cast %add3A_592 : i32 to index
        %get3A_594 = arith.constant 0 : index
        %get3A_595 = tpu.vector_load %arg8[%get3A_593, %get3A_594] {strides = array<i32>} : memref<1280x16xf32, #tpu.memory_space<vmem>>, vector<1x16xf32>,
        %get3A_596 = vector.shape_cast %get3A_595 : vector<1x16xf32> to vector<16xf32>
        %add3A_597 = arith.addf %add3A_583, %get3A_596 : vector<16xf32>
        %add3A_598 = arith.constant 12 : i32
        %add3A_599 = arith.addi %mul3A_434, %add3A_598 : i32
        %get3A_600 = arith.index_cast %add3A_599 : i32 to index
        %get3A_601 = arith.constant 0 : index
        %get3A_602 = tpu.vector_load %arg8[%get3A_600, %get3A_601] {strides = array<i32>} : memref<1280x16xf32, #tpu.memory_space<vmem>>, vector<1x16xf32>,
        %get3A_603 = vector.shape_cast %get3A_602 : vector<1x16xf32> to vector<16xf32>
        %add3A_604 = arith.addf %add3A_590, %get3A_603 : vector<16xf32>
        %add3A_605 = arith.constant 12 : i32
        %add3A_606 = arith.addi %add3A_436, %add3A_605 : i32
        %get3A_607 = arith.index_cast %add3A_606 : i32 to index
        %get3A_608 = arith.constant 0 : index
        %get3A_609 = tpu.vector_load %arg8[%get3A_607, %get3A_608] {strides = array<i32>} : memref<1280x16xf32, #tpu.memory_space<vmem>>, vector<1x16xf32>,
        %get3A_610 = vector.shape_cast %get3A_609 : vector<1x16xf32> to vector<16xf32>
        %add3A_611 = arith.addf %add3A_597, %get3A_610 : vector<16xf32>
        %add3A_612 = arith.constant 13 : i32
        %add3A_613 = arith.addi %mul3A_434, %add3A_612 : i32
        %get3A_614 = arith.index_cast %add3A_613 : i32 to index
        %get3A_615 = arith.constant 0 : index
        %get3A_616 = tpu.vector_load %arg8[%get3A_614, %get3A_615] {strides = array<i32>} : memref<1280x16xf32, #tpu.memory_space<vmem>>, vector<1x16xf32>,
        %get3A_617 = vector.shape_cast %get3A_616 : vector<1x16xf32> to vector<16xf32>
        %add3A_618 = arith.addf %add3A_604, %get3A_617 : vector<16xf32>
        %add3A_619 = arith.constant 13 : i32
        %add3A_620 = arith.addi %add3A_436, %add3A_619 : i32
        %get3A_621 = arith.index_cast %add3A_620 : i32 to index
        %get3A_622 = arith.constant 0 : index
        %get3A_623 = tpu.vector_load %arg8[%get3A_621, %get3A_622] {strides = array<i32>} : memref<1280x16xf32, #tpu.memory_space<vmem>>, vector<1x16xf32>,
        %get3A_624 = vector.shape_cast %get3A_623 : vector<1x16xf32> to vector<16xf32>
        %add3A_625 = arith.addf %add3A_611, %get3A_624 : vector<16xf32>
        %add3A_626 = arith.constant 14 : i32
        %add3A_627 = arith.addi %mul3A_434, %add3A_626 : i32
        %get3A_628 = arith.index_cast %add3A_627 : i32 to index
        %get3A_629 = arith.constant 0 : index
        %get3A_630 = tpu.vector_load %arg8[%get3A_628, %get3A_629] {strides = array<i32>} : memref<1280x16xf32, #tpu.memory_space<vmem>>, vector<1x16xf32>,
        %get3A_631 = vector.shape_cast %get3A_630 : vector<1x16xf32> to vector<16xf32>
        %add3A_632 = arith.addf %add3A_618, %get3A_631 : vector<16xf32>
        %add3A_633 = arith.constant 14 : i32
        %add3A_634 = arith.addi %add3A_436, %add3A_633 : i32
        %get3A_635 = arith.index_cast %add3A_634 : i32 to index
        %get3A_636 = arith.constant 0 : index
        %get3A_637 = tpu.vector_load %arg8[%get3A_635, %get3A_636] {strides = array<i32>} : memref<1280x16xf32, #tpu.memory_space<vmem>>, vector<1x16xf32>,
        %get3A_638 = vector.shape_cast %get3A_637 : vector<1x16xf32> to vector<16xf32>
        %add3A_639 = arith.addf %add3A_625, %get3A_638 : vector<16xf32>
        %add3A_640 = arith.constant 15 : i32
        %add3A_641 = arith.addi %mul3A_434, %add3A_640 : i32
        %get3A_642 = arith.index_cast %add3A_641 : i32 to index
        %get3A_643 = arith.constant 0 : index
        %get3A_644 = tpu.vector_load %arg8[%get3A_642, %get3A_643] {strides = array<i32>} : memref<1280x16xf32, #tpu.memory_space<vmem>>, vector<1x16xf32>,
        %get3A_645 = vector.shape_cast %get3A_644 : vector<1x16xf32> to vector<16xf32>
        %add3A_646 = arith.addf %add3A_632, %get3A_645 : vector<16xf32>
        %add3A_647 = arith.constant 15 : i32
        %add3A_648 = arith.addi %add3A_436, %add3A_647 : i32
        %get3A_649 = arith.index_cast %add3A_648 : i32 to index
        %get3A_650 = arith.constant 0 : index
        %get3A_651 = tpu.vector_load %arg8[%get3A_649, %get3A_650] {strides = array<i32>} : memref<1280x16xf32, #tpu.memory_space<vmem>>, vector<1x16xf32>,
        %get3A_652 = vector.shape_cast %get3A_651 : vector<1x16xf32> to vector<16xf32>
        %add3A_653 = arith.addf %add3A_639, %get3A_652 : vector<16xf32>
        %add3A_654 = arith.constant 16 : i32
        %add3A_655 = arith.addi %mul3A_434, %add3A_654 : i32
        %get3A_656 = arith.index_cast %add3A_655 : i32 to index
        %get3A_657 = arith.constant 0 : index
        %get3A_658 = tpu.vector_load %arg8[%get3A_656, %get3A_657] {strides = array<i32>} : memref<1280x16xf32, #tpu.memory_space<vmem>>, vector<1x16xf32>,
        %get3A_659 = vector.shape_cast %get3A_658 : vector<1x16xf32> to vector<16xf32>
        %add3A_660 = arith.addf %add3A_646, %get3A_659 : vector<16xf32>
        %add3A_661 = arith.constant 16 : i32
        %add3A_662 = arith.addi %add3A_436, %add3A_661 : i32
        %get3A_663 = arith.index_cast %add3A_662 : i32 to index
        %get3A_664 = arith.constant 0 : index
        %get3A_665 = tpu.vector_load %arg8[%get3A_663, %get3A_664] {strides = array<i32>} : memref<1280x16xf32, #tpu.memory_space<vmem>>, vector<1x16xf32>,
        %get3A_666 = vector.shape_cast %get3A_665 : vector<1x16xf32> to vector<16xf32>
        %add3A_667 = arith.addf %add3A_653, %get3A_666 : vector<16xf32>
        %add3A_668 = arith.constant 17 : i32
        %add3A_669 = arith.addi %mul3A_434, %add3A_668 : i32
        %get3A_670 = arith.index_cast %add3A_669 : i32 to index
        %get3A_671 = arith.constant 0 : index
        %get3A_672 = tpu.vector_load %arg8[%get3A_670, %get3A_671] {strides = array<i32>} : memref<1280x16xf32, #tpu.memory_space<vmem>>, vector<1x16xf32>,
        %get3A_673 = vector.shape_cast %get3A_672 : vector<1x16xf32> to vector<16xf32>
        %add3A_674 = arith.addf %add3A_660, %get3A_673 : vector<16xf32>
        %add3A_675 = arith.constant 17 : i32
        %add3A_676 = arith.addi %add3A_436, %add3A_675 : i32
        %get3A_677 = arith.index_cast %add3A_676 : i32 to index
        %get3A_678 = arith.constant 0 : index
        %get3A_679 = tpu.vector_load %arg8[%get3A_677, %get3A_678] {strides = array<i32>} : memref<1280x16xf32, #tpu.memory_space<vmem>>, vector<1x16xf32>,
        %get3A_680 = vector.shape_cast %get3A_679 : vector<1x16xf32> to vector<16xf32>
        %add3A_681 = arith.addf %add3A_667, %get3A_680 : vector<16xf32>
        %add3A_682 = arith.constant 18 : i32
        %add3A_683 = arith.addi %mul3A_434, %add3A_682 : i32
        %get3A_684 = arith.index_cast %add3A_683 : i32 to index
        %get3A_685 = arith.constant 0 : index
        %get3A_686 = tpu.vector_load %arg8[%get3A_684, %get3A_685] {strides = array<i32>} : memref<1280x16xf32, #tpu.memory_space<vmem>>, vector<1x16xf32>,
        %get3A_687 = vector.shape_cast %get3A_686 : vector<1x16xf32> to vector<16xf32>
        %add3A_688 = arith.addf %add3A_674, %get3A_687 : vector<16xf32>
        %add3A_689 = arith.constant 18 : i32
        %add3A_690 = arith.addi %add3A_436, %add3A_689 : i32
        %get3A_691 = arith.index_cast %add3A_690 : i32 to index
        %get3A_692 = arith.constant 0 : index
        %get3A_693 = tpu.vector_load %arg8[%get3A_691, %get3A_692] {strides = array<i32>} : memref<1280x16xf32, #tpu.memory_space<vmem>>, vector<1x16xf32>,
        %get3A_694 = vector.shape_cast %get3A_693 : vector<1x16xf32> to vector<16xf32>
        %add3A_695 = arith.addf %add3A_681, %get3A_694 : vector<16xf32>
        %add3A_696 = arith.constant 19 : i32
        %add3A_697 = arith.addi %mul3A_434, %add3A_696 : i32
        %get3A_698 = arith.index_cast %add3A_697 : i32 to index
        %get3A_699 = arith.constant 0 : index
        %get3A_700 = tpu.vector_load %arg8[%get3A_698, %get3A_699] {strides = array<i32>} : memref<1280x16xf32, #tpu.memory_space<vmem>>, vector<1x16xf32>,
        %get3A_701 = vector.shape_cast %get3A_700 : vector<1x16xf32> to vector<16xf32>
        %add3A_702 = arith.addf %add3A_688, %get3A_701 : vector<16xf32>
        %add3A_703 = arith.constant 19 : i32
        %add3A_704 = arith.addi %add3A_436, %add3A_703 : i32
        %get3A_705 = arith.index_cast %add3A_704 : i32 to index
        %get3A_706 = arith.constant 0 : index
        %get3A_707 = tpu.vector_load %arg8[%get3A_705, %get3A_706] {strides = array<i32>} : memref<1280x16xf32, #tpu.memory_space<vmem>>, vector<1x16xf32>,
        %get3A_708 = vector.shape_cast %get3A_707 : vector<1x16xf32> to vector<16xf32>
        %add3A_709 = arith.addf %add3A_695, %get3A_708 : vector<16xf32>
        %mul3A_710 = arith.constant 16 : i32
        %mul3A_711 = arith.muli %scan3A_211, %mul3A_710 : i32
        %div3A = arith.constant 2.000000e+01 : f32
        %div3A_712 = vector.broadcast %div3A : f32 to vector<16xf32>
        %div3A_713 = arith.divf %add3A_702, %div3A_712 : vector<16xf32>
        %add3A_714 = arith.constant 64 : i32
        %add3A_715 = arith.addi %add3A_714, %mul3A_432 : i32
        %swap3A = arith.index_cast %add3A_715 : i32 to index
        %swap3A_716 = arith.index_cast %mul3A_711 : i32 to index
        %swap3A_717 = tpu.vector_load %arg9[%swap3A, %swap3A_716] {strides = array<i32>} : memref<128x416xf32, #tpu.memory_space<vmem>>, vector<1x16xf32>,
        %swap3A_718 = vector.shape_cast %swap3A_717 : vector<1x16xf32> to vector<16xf32>
        %swap3A_719 = vector.shape_cast %div3A_713 : vector<16xf32> to vector<1x16xf32>
        tpu.vector_store %arg9[%swap3A, %swap3A_716], %swap3A_719 {strides = array<i32>} : memref<128x416xf32, #tpu.memory_space<vmem>>, vector<1x16xf32>,
        %div3A_720 = arith.constant 2.000000e+01 : f32
        %div3A_721 = vector.broadcast %div3A_720 : f32 to vector<16xf32>
        %div3A_722 = arith.divf %add3A_709, %div3A_721 : vector<16xf32>
        %add3A_723 = arith.constant 64 : i32
        %add3A_724 = arith.addi %add3A_723, %mul3A_432 : i32
        %add3A_725 = arith.constant 1 : i32
        %add3A_726 = arith.addi %add3A_724, %add3A_725 : i32
        %swap3A_727 = arith.index_cast %add3A_726 : i32 to index
        %swap3A_728 = arith.index_cast %mul3A_711 : i32 to index
        %swap3A_729 = tpu.vector_load %arg9[%swap3A_727, %swap3A_728] {strides = array<i32>} : memref<128x416xf32, #tpu.memory_space<vmem>>, vector<1x16xf32>,
        %swap3A_730 = vector.shape_cast %swap3A_729 : vector<1x16xf32> to vector<16xf32>
        %swap3A_731 = vector.shape_cast %div3A_722 : vector<16xf32> to vector<1x16xf32>
        tpu.vector_store %arg9[%swap3A_727, %swap3A_728], %swap3A_731 {strides = array<i32>} : memref<128x416xf32, #tpu.memory_space<vmem>>, vector<1x16xf32>,
      }
      %scan3A_424 = arith.constant 32 : i32
      %lt3A_425 = arith.constant 25 : i32
      %lt3A_426 = arith.cmpi slt, %scan3A_211, %lt3A_425 : i32
      %convert_element_type3A_427 = arith.extui %lt3A_426 : i1 to i32
      %cond3A_428 = arith.constant 0 : i32
      %cond3A_429 = arith.cmpi ne, %convert_element_type3A_427, %cond3A_428 : i32
      scf.if %cond3A_429 {
        %add3A_430 = arith.constant 1 : i32
        %add3A_431 = arith.addi %scan3A_211, %add3A_430 : i32
        %mul3A_432 = arith.constant 32 : i32
        %mul3A_433 = arith.muli %add3A_431, %mul3A_432 : i32
        %add3A_434 = arith.addi %mul3A_433, %add3A : i32
        "tpu.region"() ({
          %run_scoped3A = tpu.sem_alloc : memref<!tpu.dma_semaphore, #tpu.memory_space<semaphore_mem>>
          %dma_start3A_535 = arith.constant 10 : i32
          %dma_start3A_536 = arith.constant 0 : i32
          %dma_start3A_537 = tpu.memref_slice %arg3[%add3A_434, %dma_start3A_535, %dma_start3A_536] : memref<832x20x128xi32, #tpu.memory_space<hbm>> -> memref<1x10x128xi32, #tpu.memory_space<hbm>>
          %dma_start3A_538 = tpu.memref_squeeze %dma_start3A_537 : memref<1x10x128xi32, #tpu.memory_space<hbm>> -> memref<10x128xi32, #tpu.memory_space<hbm>>
          %dma_start3A_539 = arith.constant 10 : i32
          %dma_start3A_540 = arith.constant 0 : i32
          %dma_start3A_541 = tpu.memref_slice %arg3[%add3A_434, %dma_start3A_539, %dma_start3A_540] : memref<832x20x128xi32, #tpu.memory_space<hbm>> -> memref<1x10x128xi32, #tpu.memory_space<hbm>>
          %dma_start3A_542 = tpu.memref_squeeze %dma_start3A_541 : memref<1x10x128xi32, #tpu.memory_space<hbm>> -> memref<10x128xi32, #tpu.memory_space<hbm>>
          tpu.enqueue_dma source(%dma_start3A_542 : memref<10x128xi32, #tpu.memory_space<hbm>>) target(%arg6 : memref<10x128xi32, #tpu.memory_space<vmem>>) target_semaphore(%run_scoped3A : memref<!tpu.dma_semaphore, #tpu.memory_space<semaphore_mem>>)
          %dma_wait3A_543 = arith.constant 10 : i32
          %dma_wait3A_544 = arith.constant 0 : i32
          %dma_wait3A_545 = tpu.memref_slice %arg3[%add3A_434, %dma_wait3A_543, %dma_wait3A_544] : memref<832x20x128xi32, #tpu.memory_space<hbm>> -> memref<1x10x128xi32, #tpu.memory_space<hbm>>
          %dma_wait3A_546 = tpu.memref_squeeze %dma_wait3A_545 : memref<1x10x128xi32, #tpu.memory_space<hbm>> -> memref<10x128xi32, #tpu.memory_space<hbm>>
          %dma_wait3A_547 = arith.constant 10 : i32
          %dma_wait3A_548 = arith.constant 0 : i32
          %dma_wait3A_549 = tpu.memref_slice %arg3[%add3A_434, %dma_wait3A_547, %dma_wait3A_548] : memref<832x20x128xi32, #tpu.memory_space<hbm>> -> memref<1x10x128xi32, #tpu.memory_space<hbm>>
          %dma_wait3A_550 = tpu.memref_squeeze %dma_wait3A_549 : memref<1x10x128xi32, #tpu.memory_space<hbm>> -> memref<10x128xi32, #tpu.memory_space<hbm>>
          tpu.wait_dma2 semaphore(%run_scoped3A : memref<!tpu.dma_semaphore, #tpu.memory_space<semaphore_mem>>) src(%dma_wait3A_550 : memref<10x128xi32, #tpu.memory_space<hbm>>) dst(%arg6 : memref<10x128xi32, #tpu.memory_space<vmem>>)
          tpu.yield
        }) : () -> ()
        %dma_start3A_435 = arith.constant 0 : i32
        %dma_start3A_436 = arith.constant 0 : i32
        %dma_start3A_437 = arith.constant 0 : i32
        %dma_start3A_438 = tpu.memref_slice %arg8[%dma_start3A_436, %dma_start3A_437] : memref<1280x16xf32, #tpu.memory_space<vmem>> -> memref<128x16xf32, #tpu.memory_space<vmem>>
        %dma_start3A_439 = arith.constant 0 : i32
        %dma_start3A_440 = tpu.memref_slice %arg6[%dma_start3A_435, %dma_start3A_439] : memref<10x128xi32, #tpu.memory_space<vmem>> -> memref<1x128xi32, #tpu.memory_space<vmem>>
        %dma_start3A_441 = tpu.memref_squeeze %dma_start3A_440 : memref<1x128xi32, #tpu.memory_space<vmem>> -> memref<128xi32, #tpu.memory_space<vmem>>
        %dma_start3A_442 = arith.constant 0 : i32
        %dma_start3A_443 = arith.constant 0 : i32
        %dma_start3A_444 = tpu.memref_slice %arg2[%dma_start3A_442, %dma_start3A_443] : memref<2600000x16xf32, #tpu.memory_space<hbm>> -> memref<2600000x16xf32, #tpu.memory_space<hbm>>
        tpu.enqueue_indirect_dma source(%dma_start3A_444 : memref<2600000x16xf32, #tpu.memory_space<hbm>>) target(%dma_start3A_438 : memref<128x16xf32, #tpu.memory_space<vmem>>) offsets(%dma_start3A_441 : memref<128xi32, #tpu.memory_space<vmem>>) semaphore(%arg11 : memref<!tpu.dma_semaphore, #tpu.memory_space<semaphore_mem>>)
        %dma_start3A_445 = arith.constant 1 : i32
        %dma_start3A_446 = arith.constant 128 : i32
        %dma_start3A_447 = arith.constant 0 : i32
        %dma_start3A_448 = tpu.memref_slice %arg8[%dma_start3A_446, %dma_start3A_447] : memref<1280x16xf32, #tpu.memory_space<vmem>> -> memref<128x16xf32, #tpu.memory_space<vmem>>
        %dma_start3A_449 = arith.constant 0 : i32
        %dma_start3A_450 = tpu.memref_slice %arg6[%dma_start3A_445, %dma_start3A_449] : memref<10x128xi32, #tpu.memory_space<vmem>> -> memref<1x128xi32, #tpu.memory_space<vmem>>
        %dma_start3A_451 = tpu.memref_squeeze %dma_start3A_450 : memref<1x128xi32, #tpu.memory_space<vmem>> -> memref<128xi32, #tpu.memory_space<vmem>>
        %dma_start3A_452 = arith.constant 0 : i32
        %dma_start3A_453 = arith.constant 0 : i32
        %dma_start3A_454 = tpu.memref_slice %arg2[%dma_start3A_452, %dma_start3A_453] : memref<2600000x16xf32, #tpu.memory_space<hbm>> -> memref<2600000x16xf32, #tpu.memory_space<hbm>>
        tpu.enqueue_indirect_dma source(%dma_start3A_454 : memref<2600000x16xf32, #tpu.memory_space<hbm>>) target(%dma_start3A_448 : memref<128x16xf32, #tpu.memory_space<vmem>>) offsets(%dma_start3A_451 : memref<128xi32, #tpu.memory_space<vmem>>) semaphore(%arg11 : memref<!tpu.dma_semaphore, #tpu.memory_space<semaphore_mem>>)
        %dma_start3A_455 = arith.constant 2 : i32
        %dma_start3A_456 = arith.constant 256 : i32
        %dma_start3A_457 = arith.constant 0 : i32
        %dma_start3A_458 = tpu.memref_slice %arg8[%dma_start3A_456, %dma_start3A_457] : memref<1280x16xf32, #tpu.memory_space<vmem>> -> memref<128x16xf32, #tpu.memory_space<vmem>>
        %dma_start3A_459 = arith.constant 0 : i32
        %dma_start3A_460 = tpu.memref_slice %arg6[%dma_start3A_455, %dma_start3A_459] : memref<10x128xi32, #tpu.memory_space<vmem>> -> memref<1x128xi32, #tpu.memory_space<vmem>>
        %dma_start3A_461 = tpu.memref_squeeze %dma_start3A_460 : memref<1x128xi32, #tpu.memory_space<vmem>> -> memref<128xi32, #tpu.memory_space<vmem>>
        %dma_start3A_462 = arith.constant 0 : i32
        %dma_start3A_463 = arith.constant 0 : i32
        %dma_start3A_464 = tpu.memref_slice %arg2[%dma_start3A_462, %dma_start3A_463] : memref<2600000x16xf32, #tpu.memory_space<hbm>> -> memref<2600000x16xf32, #tpu.memory_space<hbm>>
        tpu.enqueue_indirect_dma source(%dma_start3A_464 : memref<2600000x16xf32, #tpu.memory_space<hbm>>) target(%dma_start3A_458 : memref<128x16xf32, #tpu.memory_space<vmem>>) offsets(%dma_start3A_461 : memref<128xi32, #tpu.memory_space<vmem>>) semaphore(%arg11 : memref<!tpu.dma_semaphore, #tpu.memory_space<semaphore_mem>>)
        %dma_start3A_465 = arith.constant 3 : i32
        %dma_start3A_466 = arith.constant 384 : i32
        %dma_start3A_467 = arith.constant 0 : i32
        %dma_start3A_468 = tpu.memref_slice %arg8[%dma_start3A_466, %dma_start3A_467] : memref<1280x16xf32, #tpu.memory_space<vmem>> -> memref<128x16xf32, #tpu.memory_space<vmem>>
        %dma_start3A_469 = arith.constant 0 : i32
        %dma_start3A_470 = tpu.memref_slice %arg6[%dma_start3A_465, %dma_start3A_469] : memref<10x128xi32, #tpu.memory_space<vmem>> -> memref<1x128xi32, #tpu.memory_space<vmem>>
        %dma_start3A_471 = tpu.memref_squeeze %dma_start3A_470 : memref<1x128xi32, #tpu.memory_space<vmem>> -> memref<128xi32, #tpu.memory_space<vmem>>
        %dma_start3A_472 = arith.constant 0 : i32
        %dma_start3A_473 = arith.constant 0 : i32
        %dma_start3A_474 = tpu.memref_slice %arg2[%dma_start3A_472, %dma_start3A_473] : memref<2600000x16xf32, #tpu.memory_space<hbm>> -> memref<2600000x16xf32, #tpu.memory_space<hbm>>
        tpu.enqueue_indirect_dma source(%dma_start3A_474 : memref<2600000x16xf32, #tpu.memory_space<hbm>>) target(%dma_start3A_468 : memref<128x16xf32, #tpu.memory_space<vmem>>) offsets(%dma_start3A_471 : memref<128xi32, #tpu.memory_space<vmem>>) semaphore(%arg11 : memref<!tpu.dma_semaphore, #tpu.memory_space<semaphore_mem>>)
        %dma_start3A_475 = arith.constant 4 : i32
        %dma_start3A_476 = arith.constant 512 : i32
        %dma_start3A_477 = arith.constant 0 : i32
        %dma_start3A_478 = tpu.memref_slice %arg8[%dma_start3A_476, %dma_start3A_477] : memref<1280x16xf32, #tpu.memory_space<vmem>> -> memref<128x16xf32, #tpu.memory_space<vmem>>
        %dma_start3A_479 = arith.constant 0 : i32
        %dma_start3A_480 = tpu.memref_slice %arg6[%dma_start3A_475, %dma_start3A_479] : memref<10x128xi32, #tpu.memory_space<vmem>> -> memref<1x128xi32, #tpu.memory_space<vmem>>
        %dma_start3A_481 = tpu.memref_squeeze %dma_start3A_480 : memref<1x128xi32, #tpu.memory_space<vmem>> -> memref<128xi32, #tpu.memory_space<vmem>>
        %dma_start3A_482 = arith.constant 0 : i32
        %dma_start3A_483 = arith.constant 0 : i32
        %dma_start3A_484 = tpu.memref_slice %arg2[%dma_start3A_482, %dma_start3A_483] : memref<2600000x16xf32, #tpu.memory_space<hbm>> -> memref<2600000x16xf32, #tpu.memory_space<hbm>>
        tpu.enqueue_indirect_dma source(%dma_start3A_484 : memref<2600000x16xf32, #tpu.memory_space<hbm>>) target(%dma_start3A_478 : memref<128x16xf32, #tpu.memory_space<vmem>>) offsets(%dma_start3A_481 : memref<128xi32, #tpu.memory_space<vmem>>) semaphore(%arg11 : memref<!tpu.dma_semaphore, #tpu.memory_space<semaphore_mem>>)
        %dma_start3A_485 = arith.constant 5 : i32
        %dma_start3A_486 = arith.constant 640 : i32
        %dma_start3A_487 = arith.constant 0 : i32
        %dma_start3A_488 = tpu.memref_slice %arg8[%dma_start3A_486, %dma_start3A_487] : memref<1280x16xf32, #tpu.memory_space<vmem>> -> memref<128x16xf32, #tpu.memory_space<vmem>>
        %dma_start3A_489 = arith.constant 0 : i32
        %dma_start3A_490 = tpu.memref_slice %arg6[%dma_start3A_485, %dma_start3A_489] : memref<10x128xi32, #tpu.memory_space<vmem>> -> memref<1x128xi32, #tpu.memory_space<vmem>>
        %dma_start3A_491 = tpu.memref_squeeze %dma_start3A_490 : memref<1x128xi32, #tpu.memory_space<vmem>> -> memref<128xi32, #tpu.memory_space<vmem>>
        %dma_start3A_492 = arith.constant 0 : i32
        %dma_start3A_493 = arith.constant 0 : i32
        %dma_start3A_494 = tpu.memref_slice %arg2[%dma_start3A_492, %dma_start3A_493] : memref<2600000x16xf32, #tpu.memory_space<hbm>> -> memref<2600000x16xf32, #tpu.memory_space<hbm>>
        tpu.enqueue_indirect_dma source(%dma_start3A_494 : memref<2600000x16xf32, #tpu.memory_space<hbm>>) target(%dma_start3A_488 : memref<128x16xf32, #tpu.memory_space<vmem>>) offsets(%dma_start3A_491 : memref<128xi32, #tpu.memory_space<vmem>>) semaphore(%arg11 : memref<!tpu.dma_semaphore, #tpu.memory_space<semaphore_mem>>)
        %dma_start3A_495 = arith.constant 6 : i32
        %dma_start3A_496 = arith.constant 768 : i32
        %dma_start3A_497 = arith.constant 0 : i32
        %dma_start3A_498 = tpu.memref_slice %arg8[%dma_start3A_496, %dma_start3A_497] : memref<1280x16xf32, #tpu.memory_space<vmem>> -> memref<128x16xf32, #tpu.memory_space<vmem>>
        %dma_start3A_499 = arith.constant 0 : i32
        %dma_start3A_500 = tpu.memref_slice %arg6[%dma_start3A_495, %dma_start3A_499] : memref<10x128xi32, #tpu.memory_space<vmem>> -> memref<1x128xi32, #tpu.memory_space<vmem>>
        %dma_start3A_501 = tpu.memref_squeeze %dma_start3A_500 : memref<1x128xi32, #tpu.memory_space<vmem>> -> memref<128xi32, #tpu.memory_space<vmem>>
        %dma_start3A_502 = arith.constant 0 : i32
        %dma_start3A_503 = arith.constant 0 : i32
        %dma_start3A_504 = tpu.memref_slice %arg2[%dma_start3A_502, %dma_start3A_503] : memref<2600000x16xf32, #tpu.memory_space<hbm>> -> memref<2600000x16xf32, #tpu.memory_space<hbm>>
        tpu.enqueue_indirect_dma source(%dma_start3A_504 : memref<2600000x16xf32, #tpu.memory_space<hbm>>) target(%dma_start3A_498 : memref<128x16xf32, #tpu.memory_space<vmem>>) offsets(%dma_start3A_501 : memref<128xi32, #tpu.memory_space<vmem>>) semaphore(%arg11 : memref<!tpu.dma_semaphore, #tpu.memory_space<semaphore_mem>>)
        %dma_start3A_505 = arith.constant 7 : i32
        %dma_start3A_506 = arith.constant 896 : i32
        %dma_start3A_507 = arith.constant 0 : i32
        %dma_start3A_508 = tpu.memref_slice %arg8[%dma_start3A_506, %dma_start3A_507] : memref<1280x16xf32, #tpu.memory_space<vmem>> -> memref<128x16xf32, #tpu.memory_space<vmem>>
        %dma_start3A_509 = arith.constant 0 : i32
        %dma_start3A_510 = tpu.memref_slice %arg6[%dma_start3A_505, %dma_start3A_509] : memref<10x128xi32, #tpu.memory_space<vmem>> -> memref<1x128xi32, #tpu.memory_space<vmem>>
        %dma_start3A_511 = tpu.memref_squeeze %dma_start3A_510 : memref<1x128xi32, #tpu.memory_space<vmem>> -> memref<128xi32, #tpu.memory_space<vmem>>
        %dma_start3A_512 = arith.constant 0 : i32
        %dma_start3A_513 = arith.constant 0 : i32
        %dma_start3A_514 = tpu.memref_slice %arg2[%dma_start3A_512, %dma_start3A_513] : memref<2600000x16xf32, #tpu.memory_space<hbm>> -> memref<2600000x16xf32, #tpu.memory_space<hbm>>
        tpu.enqueue_indirect_dma source(%dma_start3A_514 : memref<2600000x16xf32, #tpu.memory_space<hbm>>) target(%dma_start3A_508 : memref<128x16xf32, #tpu.memory_space<vmem>>) offsets(%dma_start3A_511 : memref<128xi32, #tpu.memory_space<vmem>>) semaphore(%arg11 : memref<!tpu.dma_semaphore, #tpu.memory_space<semaphore_mem>>)
        %dma_start3A_515 = arith.constant 8 : i32
        %dma_start3A_516 = arith.constant 1024 : i32
        %dma_start3A_517 = arith.constant 0 : i32
        %dma_start3A_518 = tpu.memref_slice %arg8[%dma_start3A_516, %dma_start3A_517] : memref<1280x16xf32, #tpu.memory_space<vmem>> -> memref<128x16xf32, #tpu.memory_space<vmem>>
        %dma_start3A_519 = arith.constant 0 : i32
        %dma_start3A_520 = tpu.memref_slice %arg6[%dma_start3A_515, %dma_start3A_519] : memref<10x128xi32, #tpu.memory_space<vmem>> -> memref<1x128xi32, #tpu.memory_space<vmem>>
        %dma_start3A_521 = tpu.memref_squeeze %dma_start3A_520 : memref<1x128xi32, #tpu.memory_space<vmem>> -> memref<128xi32, #tpu.memory_space<vmem>>
        %dma_start3A_522 = arith.constant 0 : i32
        %dma_start3A_523 = arith.constant 0 : i32
        %dma_start3A_524 = tpu.memref_slice %arg2[%dma_start3A_522, %dma_start3A_523] : memref<2600000x16xf32, #tpu.memory_space<hbm>> -> memref<2600000x16xf32, #tpu.memory_space<hbm>>
        tpu.enqueue_indirect_dma source(%dma_start3A_524 : memref<2600000x16xf32, #tpu.memory_space<hbm>>) target(%dma_start3A_518 : memref<128x16xf32, #tpu.memory_space<vmem>>) offsets(%dma_start3A_521 : memref<128xi32, #tpu.memory_space<vmem>>) semaphore(%arg11 : memref<!tpu.dma_semaphore, #tpu.memory_space<semaphore_mem>>)
        %dma_start3A_525 = arith.constant 9 : i32
        %dma_start3A_526 = arith.constant 1152 : i32
        %dma_start3A_527 = arith.constant 0 : i32
        %dma_start3A_528 = tpu.memref_slice %arg8[%dma_start3A_526, %dma_start3A_527] : memref<1280x16xf32, #tpu.memory_space<vmem>> -> memref<128x16xf32, #tpu.memory_space<vmem>>
        %dma_start3A_529 = arith.constant 0 : i32
        %dma_start3A_530 = tpu.memref_slice %arg6[%dma_start3A_525, %dma_start3A_529] : memref<10x128xi32, #tpu.memory_space<vmem>> -> memref<1x128xi32, #tpu.memory_space<vmem>>
        %dma_start3A_531 = tpu.memref_squeeze %dma_start3A_530 : memref<1x128xi32, #tpu.memory_space<vmem>> -> memref<128xi32, #tpu.memory_space<vmem>>
        %dma_start3A_532 = arith.constant 0 : i32
        %dma_start3A_533 = arith.constant 0 : i32
        %dma_start3A_534 = tpu.memref_slice %arg2[%dma_start3A_532, %dma_start3A_533] : memref<2600000x16xf32, #tpu.memory_space<hbm>> -> memref<2600000x16xf32, #tpu.memory_space<hbm>>
        tpu.enqueue_indirect_dma source(%dma_start3A_534 : memref<2600000x16xf32, #tpu.memory_space<hbm>>) target(%dma_start3A_528 : memref<128x16xf32, #tpu.memory_space<vmem>>) offsets(%dma_start3A_531 : memref<128xi32, #tpu.memory_space<vmem>>) semaphore(%arg11 : memref<!tpu.dma_semaphore, #tpu.memory_space<semaphore_mem>>)
      } else {
      }
    }
    %scan3A_210 = arith.constant 26 : i32
    "tpu.region"() ({
      %run_scoped3A = tpu.sem_alloc : memref<!tpu.dma_semaphore, #tpu.memory_space<semaphore_mem>>
      %dma_start3A_211 = arith.constant 0 : i32
      %dma_start3A_212 = tpu.memref_slice %arg4[%mul3A_2, %dma_start3A_211] : memref<4096x416xf32, #tpu.memory_space<hbm>> -> memref<128x416xf32, #tpu.memory_space<hbm>>
      %dma_start3A_213 = arith.constant 0 : i32
      %dma_start3A_214 = tpu.memref_slice %arg4[%mul3A_2, %dma_start3A_213] : memref<4096x416xf32, #tpu.memory_space<hbm>> -> memref<128x416xf32, #tpu.memory_space<hbm>>
      tpu.enqueue_dma source(%arg9 : memref<128x416xf32, #tpu.memory_space<vmem>>) target(%dma_start3A_214 : memref<128x416xf32, #tpu.memory_space<hbm>>) target_semaphore(%run_scoped3A : memref<!tpu.dma_semaphore, #tpu.memory_space<semaphore_mem>>)
      %dma_wait3A = arith.constant 0 : i32
      %dma_wait3A_215 = tpu.memref_slice %arg4[%mul3A_2, %dma_wait3A] : memref<4096x416xf32, #tpu.memory_space<hbm>> -> memref<128x416xf32, #tpu.memory_space<hbm>>
      %dma_wait3A_216 = arith.constant 0 : i32
      %dma_wait3A_217 = tpu.memref_slice %arg4[%mul3A_2, %dma_wait3A_216] : memref<4096x416xf32, #tpu.memory_space<hbm>> -> memref<128x416xf32, #tpu.memory_space<hbm>>
      tpu.wait_dma2 semaphore(%run_scoped3A : memref<!tpu.dma_semaphore, #tpu.memory_space<semaphore_mem>>) src(%arg9 : memref<128x416xf32, #tpu.memory_space<vmem>>) dst(%dma_wait3A_217 : memref<128x416xf32, #tpu.memory_space<hbm>>)
      tpu.yield
    }) : () -> ()
    return
  }
}

</mosaic_0001>

<sc_bundles>
// kernel: _dense_features.3.cloned.1.call-start
scs
__scs_entry_jumppad:
0x0: {  	(pc) =	sbr.rel $0x88, $3  }
0x1: {  	(tag) =	ssettag $0x0;
	lr =	simm.s32 $0x1  }
0x2: {  	[smem:$0x3F9E] =	sst lr;
	_ =	strace $0xD0000000  }
0x3: {  	_ = 	snop  }
0x4: {  	_ = 	snop  }
0x5: {  	_ = 	snop  }
0x6: {  	_ = 	snop  }
0x7: {  	_ = 	snop  }
__scs_overlays_trampoline_lowered:
0x8: {  	[smem:$0x3FAD] =	sst s0  }
0x9: {  	[smem:$0x3FAE] =	sst s1  }
0xa: {  	[smem:$0x3FAF] =	sst s2  }
0xb: {  	[smem:$0x3FB0] =	sst s3  }
0xc: {  	[smem:$0x3FB1] =	sst s4  }
0xd: {  	[smem:$0x3FB2] =	sst s5  }
0xe: {  	[smem:$0x3FB3] =	sst s6  }
0xf: {  	[smem:$0x3FB4] =	sst s7  }
0x10: {  	[smem:$0x3FB5] =	sst s8  }
0x11: {  	[smem:$0x3FB6] =	sst s9;
	s0 =	simm.s32 @!p0 $0x0  }
0x12: {  	s1 =	sld [smem:$0x3F9C];
	s0 =	simm.s32 @p0 $0x1  }
0x13: {  	[smem:$0x3FB7] =	sst s0;
	s0 =	simm.s32 @!p1 $0x0  }
0x14: {  	s2 =	sld [smem:$0x3F9B];
	s0 =	simm.s32 @p1 $0x1  }
0x15: {  	[smem:$0x3FB8] =	sst s0;
	s0 =	simm.s32 @!p2 $0x0  }
0x16: {  	s3 =	sld [smem:$0x3FDB];
	s0 =	simm.s32 @p2 $0x1  }
0x17: {  	s4 =	simm.s32 $0x1BF5;
	[smem:$0x3FBA] =	sst s0  }
0x18: {  	s0 =	sld [smem:$0x3F9D];
	_ =	swait.ge [sflag:s4], $0x0  }
0x19: {  	s7 =	sld [smem:$0x3F9E]  }
0x1a: {  	s8 =	sadd.s32 $0xFFFFE003, lr  }
0x1b: {  	s9 =	sadd.s32 $0xFFFFFEF7, lr;
	s5 =	simm.s32 $0xFFFFFFFF;
	p2 =	slt.u32 s8, $0xFFFFF086  }
0x1c: {  	p1 =	slt.u32 s9, $0xF7A;
	s5 =	simm.s32 @!p2 $0x0  }
0x1d: {  	s5 =	simm.s32 @p1 $0x1;
	p0 =	seq.s32 s7, s2  }
0x1e: {  	s7 =	smul.u32 @!p0 $0xF7A, s2;
	p2 =	seq.s32 @!p0 s5, $0x0  }
0x1f: {  	s9 =	smul.u32 $0xF7A, s1;
	s8 =	simm.s32 @!p0 $0x1BF5;
	p2 =	por !p2, p0  }
0x20: {  	[sflag:s8] =	ssyncset.s32 @!p0 $0xFFFFF086;
	s6 =	sadd.s32 @!p0 s3, s7;
	s7 =	simm.s32 @!p0 $0x108  }
0x21: {  	s3 =	sadd.s32 s3, s9;
	s6 =	sadd.s32 @!p0 $0x88, s6;
	s7 =	simm.s32 @p2 $0x1082  }
0x22: {  	[simem:s7], [sflag:s8] =	dma.local @!p0 [hbm:s6], $0xF7A  }
0x23: {  	s9 =	sor.u32 $0xD0000000, s2;
	s6 =	simm.s32 $0x108;
	_ =	swait.ge @!p0 [sflag:s8], $0x0  }
0x24: {  	s3 =	sadd.s32 $0x88, s3;
	s6 =	simm.s32 @!p1 $0x1082;
	[sflag:s4] =	ssyncset.s32 $0xFFFFF086  }
0x25: {  	[simem:s6], [sflag:s4] =	dma.local [hbm:s3], $0xF7A  }
0x26: {  	[smem:$0x3F9E] =	sst s1;
	(tag) =	ssettag s2;
	_ =	strace s9  }
0x27: {  	s1 =	sld [smem:$0x3FAE]  }
0x28: {  	s2 =	sld [smem:$0x3FAF]  }
0x29: {  	s4 =	sld [smem:$0x3FB1]  }
0x2a: {  	p0 =	seq.s32 s5, $0x0;
	s5 =	sld [smem:$0x3FB2]  }
0x2b: {  	s6 =	sld [smem:$0x3FB3]  }
0x2c: {  	s7 =	sld [smem:$0x3FB4]  }
0x2d: {  	s3 =	simm.s32 $0x108;
	s8 =	sld [smem:$0x3FB5]  }
0x2e: {  	s3 =	simm.s32 @!p0 $0x1082;
	s9 =	sld [smem:$0x3FB6]  }
0x2f: {  	lr =	sadd.s32 s0, s3;
	s0 =	sld [smem:$0x3FAD]  }
0x30: {  	s3 =	sld [smem:$0x3FB0]  }
0x31: {  	[smem:$0x3FB9] =	sst s10  }
0x32: {  	s10 =	sld [smem:$0x3FB7];
	_ =	sdelay $0x3  }
0x33: {  	p0 =	seq.s32 s10, $0x1;
	s10 =	sld [smem:$0x3FB9];
	_ =	sdelay $0x3  }
0x34: {  	[smem:$0x3FB9] =	sst s10  }
0x35: {  	s10 =	sld [smem:$0x3FB8];
	_ =	sdelay $0x3  }
0x36: {  	p1 =	seq.s32 s10, $0x1;
	s10 =	sld [smem:$0x3FB9];
	_ =	sdelay $0x3  }
0x37: {  	[smem:$0x3FB9] =	sst s10  }
0x38: {  	s10 =	sld [smem:$0x3FBA]  }
0x39: {  	_ = 	snop;
	(pc) =	sbr.ind lr, $3  }
0x3a: {  	_ = 	snop  }
0x3b: {  	_ = 	snop  }
0x3c: {  	p2 =	seq.s32 s10, $0x1;
	s10 =	sld [smem:$0x3FB9]  }
0x3d: {  	_ =	shalt  }
0x3e: {  	_ =	shalt  }
0x3f: {  	_ =	shalt  }
0x40: {  	_ =	shalt  }
0x41: {  	_ =	shalt  }
0x42: {  	_ =	shalt  }
0x43: {  	_ =	shalt  }
0x44: {  	_ =	shalt  }
0x45: {  	_ =	shalt  }
0x46: {  	_ =	shalt  }
0x47: {  	_ =	shalt  }
0x48: {  	_ =	shalt  }
0x49: {  	_ =	shalt  }
0x4a: {  	_ =	shalt  }
0x4b: {  	_ =	shalt  }
0x4c: {  	_ =	shalt  }
0x4d: {  	_ =	shalt  }
0x4e: {  	_ =	shalt  }
0x4f: {  	_ =	shalt  }
0x50: {  	_ =	shalt  }
0x51: {  	_ =	shalt  }
0x52: {  	_ =	shalt  }
0x53: {  	_ =	shalt  }
0x54: {  	_ =	shalt  }
0x55: {  	_ =	shalt  }
0x56: {  	_ =	shalt  }
0x57: {  	_ =	shalt  }
0x58: {  	_ =	shalt  }
0x59: {  	_ =	shalt  }
0x5a: {  	_ =	shalt  }
0x5b: {  	_ =	shalt  }
0x5c: {  	_ =	shalt  }
0x5d: {  	_ =	shalt  }
0x5e: {  	_ =	shalt  }
0x5f: {  	_ =	shalt  }
0x60: {  	_ =	shalt  }
0x61: {  	_ =	shalt  }
0x62: {  	_ =	shalt  }
0x63: {  	_ =	shalt  }
0x64: {  	_ =	shalt  }
0x65: {  	_ =	shalt  }
0x66: {  	_ =	shalt  }
0x67: {  	_ =	shalt  }
0x68: {  	_ =	shalt  }
0x69: {  	_ =	shalt  }
0x6a: {  	_ =	shalt  }
0x6b: {  	_ =	shalt  }
0x6c: {  	_ =	shalt  }
0x6d: {  	_ =	shalt  }
0x6e: {  	_ =	shalt  }
0x6f: {  	_ =	shalt  }
0x70: {  	_ =	shalt  }
0x71: {  	_ =	shalt  }
0x72: {  	_ =	shalt  }
0x73: {  	_ =	shalt  }
0x74: {  	_ =	shalt  }
0x75: {  	_ =	shalt  }
0x76: {  	_ =	shalt  }
0x77: {  	_ =	shalt  }
0x78: {  	_ =	shalt  }
0x79: {  	_ =	shalt  }
0x7a: {  	_ =	shalt  }
0x7b: {  	_ =	shalt  }
0x7c: {  	_ =	shalt  }
0x7d: {  	_ =	shalt  }
0x7e: {  	_ =	shalt  }
0x7f: {  	_ =	shalt  }
0x80: {  	_ =	shalt  }
0x81: {  	_ =	shalt  }
0x82: {  	_ =	shalt  }
0x83: {  	_ =	shalt  }
0x84: {  	_ =	shalt  }
0x85: {  	_ =	shalt  }
0x86: {  	_ =	shalt  }
0x87: {  	_ =	shalt  }
.Lfunc_end0:
.L_simem_size_0:
called_computation_lowered:
.L_overlay_start_0:
0x88: {  	s2 =	sld [smem:$0x3FD9]  }
0x89: {  	s3 =	sld [smem:$0x3FFE];
	_ =	sdelay $0x1  }
0x8a: {  	s1 =	srdreg.scid  }
0x8b: {  	s0 =	sand.u32 $0x1, s1  }
0x8c: {  	s17 =	sshll.u32 s0, $0xA;
	s2 =	sadd.s32 s3, s2  }
0x8d: {  	s2 =	sadd.s32 s2, s17  }
0x8e: {  	[smem:$0x3FC5] =	sst s2  }
0x8f: {  	_ = 	snop  }
0x90: {  	s2 =	sld [smem:$0x3FD0];
	(tm) =	ssettm $0x1  }
0x91: {  	s18 =	sld [smem:$0x3FFB];
	_ =	sdelay $0x3  }
0x92: {  	_ =	strace s18  }
0x93: {  	s3 =	sld [smem:$0x3FFC];
	_ =	sdelay $0x3  }
0x94: {  	_ =	strace s3  }
0x95: {  	s3 =	sld [smem:$0x3FFD];
	_ =	sdelay $0x3  }
0x96: {  	_ =	strace s3  }
0x97: {  	_ =	strace $0x8FFFFFFF  }
0x98: {  	s19 =	sld [smem:$0x3FDB];
	_ =	sdelay $0x1  }
0x99: {  	s4 =	simm.s32 $_scs_section_size  }
0x9a: {  	s5 =	simm.s32 $_size__tile_overlayer_lowered;
	s6 =	simm.s32 $_tile_overlayer_lowered  }
0x9b: {  	s22 =	simm.s32 $0x1BFF;
	s21 =	sshll.u32 s6, $0x1;
	s3 =	sadd.s32 s4, s19  }
0x9c: {  	s7 =	simm.s32 $0x0;
	s20 =	sshll.u32 s5, $0x1;
	s5 =	sadd.s32 s21, s3  }
0x9d: {  	[timem:s7], [sflag:s22] =	dma.local [hbm:s5], s20  }
0x9e: {  	_ =	swait.ge [sflag:s22], s20  }
0x9f: {  	s4 =	ssub.s32 $0x0, s20;
	[sflag:s22] =	ssyncset.done $0x0  }
0xa0: {  	[sflag:s22] =	ssyncadd.s32 s4;
	_ =	sdelay $0x1  }
0xa1: {  	s23 =	simm.s32 $0x1B8B  }
0xa2: {  	_ =	swait.ge [sflag:s23], $0x1  }
0xa3: {  	[sflag:s23] =	ssyncset.done $0x0  }
0xa4: {  	s25 =	simm.s32 $0x1B8E;
	s24 =	sld [smem:$0x3FFE];
	[sflag:s23] =	ssyncadd.s32 $0xFFFFFFFF  }
0xa5: {  	s26 =	simm.s32 $execute0_lowered;
	[smem:$0x3FD2] =	sst s25  }
0xa6: {  	s5 =	sshll.u32 s26, $0x1;
	_ =	strace $0x80000046;
	[dreg:$0x1] =	wrdreg $0xFFFFFFFF  }
0xa7: {  	s28 =	simm.s32 $_size_execute0_lowered;
	s3 =	sadd.s32 s3, s5;
	[dreg:$0x0] =	wrdreg $0x0  }
0xa8: {  	s5 =	sshll.u32 s28, $0x1;
	[dreg:$0x2] =	wrdreg s3  }
0xa9: {  	[dreg:$0x3] =	wrdreg s5  }
0xaa: {  	[dreg:$0x4] =	wrdreg $0xC0  }
0xab: {  	_ =	task [dreg:s7], $0x5FFFF  }
0xac: {  	[dreg:$0x1] =	wrdreg $0xFFFFFFFF  }
0xad: {  	[dreg:$0x0] =	wrdreg $0x60  }
0xae: {  	[dreg:$0x2] =	wrdreg s24  }
0xaf: {  	[dreg:$0x3] =	wrdreg s2  }
0xb0: {  	[dreg:$0x4] =	wrdreg $0x9  }
0xb1: {  	_ =	task.clear_ibuf [dreg:s7], $0x5FFFF;
	_ =	strace $0x90000046  }
0xb2: {  	s29 =	simm.s32 $0x9;
	_ =	strace $0x80000048  }
0xb3: {  	_ =	swait.ge [sflag:s29], $0x1  }
0xb4: {  	[sflag:s29] =	ssyncadd.s32 $0xFFFFFFFF  }
0xb5: {  	_ =	strace $0x90000048  }
0xb6: {  	_ =	sfence  }
0xb7: {  	s30 =	sld [smem:$0x0];
	_ =	sdelay $0x2  }
0xb8: {  	s31 =	sshll.u32 s1, $0xD;
	s1 =	sshrl.u32 s1, $0x2  }
0xb9: {  	s3 =	sand.u32 $0x4000, s31;
	s1 =	sadd.s32 s1, s30  }
0xba: {  	s0 =	sor.u32 s3, s0;
	s1 =	sshll.u32 s1, $0x11  }
0xbb: {  	s0 =	sor.u32 s1, s0  }
0xbc: {  	s0 =	sadd.s32 $0x8F2B, s0  }
0xbd: {  	[sflag:s0] =	ssyncadd.remote.s32 $0x1  }
0xbe: {  	_ =	sfence.sel $0xFFFF  }
0xbf: {  	[dreg:$0x0] =	wrdreg $0xFFFFFFFF;
	(pc) =	sbr.abs _section_cstart, $3  }
0xc0: {  	[dreg:$0x1] =	wrdreg $0xFFFFFFFF  }
0xc1: {  	_ =	task.clear_ibuf [dreg:s7], $0x2FFFF;
	_ =	strace $0x9FFFFFFF  }
0xc2: {  	(tm) =	ssettm $0x7FFFFFFF  }
0xc3: {  	_ =	shalt  }
tec
execute0_lowered:
.L_overlay_start_1:
0x0: {  	(tag) =	ssettag $0x1  }
0x1: {  	s0 =	rddreg [dreg:$0x0];
	s1 =	srdreg.scid  }
0x2: {  	s2 =	stileid.u32;
	s5 =	rddreg [dreg:$0x1];
	s10 =	simm.s32 $0x3  }
0x3: {  	s11 =	simm.s32 $0x80;
	s31 =	simm.s32 $0x500;
	s13 =	simm.s32 $0x600  }
0x4: {  	s14 =	simm.s32 $0x6A00;
	s15 =	simm.s32 $0x680;
	s16 =	simm.s32 $0x7200  }
0x5: {  	s17 =	simm.s32 $0x700;
	s3 =	sshll.u32 s2, $0x1;
	s2 =	simm.s32 $0x0  }
0x6: {  	s18 =	simm.s32 $0x7A00;
	s19 =	simm.s32 $0x780;
	[smem:$0x7FF] =	sst s2  }
0x7: {  	v0 =	vimm.f32 $2.000000000e+01;
	s20 =	simm.s32 $0x8200;
	s21 =	simm.s32 $0x800;
	_ =	strace $0x80000047  }
0x8: {  	s22 =	simm.s32 $0x8A00;
	s23 =	simm.s32 $0x880;
	s1 =	sand.u32 $0x1, s1;
	(erf) = vrcp.f32 v0  }
0x9: {  	s28 =	simm.s32 $0x980;
	s29 =	simm.s32 $0xA200;
	s6 =	sor.u32 s1, s3  }
0xa: {  	s30 =	simm.s32 $0x1;
	s1 =	ssub.s32 $0x2, s1;
	s4 =	smul.u32 $0xA00, s6  }
0xb: {  	s3 =	sadd.s32 $0x1A0A00, s0;
	s7 =	sshrl.u32 s1, $0x1;
	s9 =	smul.u32 $0x1A00, s6  }
0xc: {  	s24 =	ssub.s32 s1, s7;
	s7 =	sor.u32 $0x20, s6;
	s6 =	simm.s32 $0x2  }
.Ltmp0:
0xd: {  	s8 =	sshrl.u32 s4, $0x3;
	s26 =	sadd.s32 s5, s9;
	(pc) =	sbr.rel .LBB2_1-.Ltmp0, $4  }
0xe: {  	s4 =	sadd.s32 $0x27ACE00, s0;
	s0 =	smax.u32 s24, $0x1;
	[dreg:$0x5] =	wrdreg s26  }
0xf: {  	s24 =	simm.s32 $0x9200;
	s25 =	sadd.s32 s3, s8;
	[dreg:$0x6] =	wrdreg s0  }
0x10: {  	s26 =	simm.s32 $0x9A00;
	[dreg:$0x3] =	wrdreg s25;
	s1 =	sadd.s32 $0xA0, s25  }
0x11: {  	s25 =	simm.s32 $0x900;
	[dreg:$0x4] =	wrdreg s1;
	s1 =	simm.s32 $0x0;
	v0 =	vpop (erf)  }
.LBB2_8:
0x12: {  	s0 =	rddreg [dreg:$0x5];
	s1 =	simm.s32 $0xAA00  }
0x13: {  	[hbm4b:s0+s2] =	stream.linear.scatter [tilespmem:s1], [sflag:$0x3], $0xD000, $0x38;
	[tilespmem:$0x17A00] =	vst v63  }
0x14: {  	_ =	swait.ge [sflag:s10], $0xD000  }
0x15: {  	s9 =	rddreg [dreg:$0x7]  }
0x16: {  	s12 =	rddreg [dreg:$0x6];
	s1 =	sadd.s32 $0x1, s9  }
0x17: {  	p0 =	sne.s32 s1, s12  }
.Ltmp1:
0x18: {  	_ = 	snop;
	(pc) =	sbr.rel @!p0 .LBB2_9-.Ltmp1, $3  }
0x19: {  	_ =	sdelay $0x1  }
0x1a: {  	[sflag:s10] =	ssyncset.done $0x0  }
0x1b: {  	[sflag:s10] =	ssyncadd.s32 $0xFFFF3000  }
.LBB2_1:
0x1c: {  	[dreg:$0x7] =	wrdreg s1  }
0x1d: {  	s0 =	rddreg [dreg:$0x3]  }
0x1e: {  	[tilespmem:s2], [sflag:$0x3] =	stream.linear.gather [hbm4b:s0+s2], $0x500, $0x38;
	[tilespmem:$0x17A00] =	vst v63  }
0x1f: {  	_ =	swait.ge [sflag:s10], $0x500  }
0x20: {  	[sflag:s10] =	ssyncset.done $0x0  }
0x21: {  	s12 =	simm.s32 $0xA00;
	[sflag:s10] =	ssyncadd.s32 $0xFFFFFB00  }
0x22: {  	[tilespmem:s12], [sflag:$0x1] =	stream.indirect.gather [hbm4b:s4+s11], $0x10, s2, s11, $0xb8;
	[tilespmem:$0x17A00] =	vst v63  }
0x23: {  	s1 =	simm.s32 $0x1200  }
0x24: {  	[tilespmem:s1], [sflag:$0x1] =	stream.indirect.gather [hbm4b:s4+s11], $0x10, s11, s11, $0xb8;
	[tilespmem:$0x17A00] =	vst v63  }
0x25: {  	s5 =	simm.s32 $0x100;
	s8 =	simm.s32 $0x1A00  }
0x26: {  	[tilespmem:s8], [sflag:$0x1] =	stream.indirect.gather [hbm4b:s4+s11], $0x10, s5, s11, $0xb8;
	[tilespmem:$0x17A00] =	vst v63  }
0x27: {  	s9 =	simm.s32 $0x180;
	s12 =	simm.s32 $0x2200  }
0x28: {  	[tilespmem:s12], [sflag:$0x1] =	stream.indirect.gather [hbm4b:s4+s11], $0x10, s9, s11, $0xb8;
	[tilespmem:$0x17A00] =	vst v63  }
0x29: {  	s5 =	simm.s32 $0x200;
	s8 =	simm.s32 $0x2A00  }
0x2a: {  	[tilespmem:s8], [sflag:$0x1] =	stream.indirect.gather [hbm4b:s4+s11], $0x10, s5, s11, $0xb8;
	[tilespmem:$0x17A00] =	vst v63  }
0x2b: {  	s9 =	simm.s32 $0x280;
	s12 =	simm.s32 $0x3200  }
0x2c: {  	[tilespmem:s12], [sflag:$0x1] =	stream.indirect.gather [hbm4b:s4+s11], $0x10, s9, s11, $0xb8;
	[tilespmem:$0x17A00] =	vst v63  }
0x2d: {  	s5 =	simm.s32 $0x300;
	s8 =	simm.s32 $0x3A00  }
0x2e: {  	[tilespmem:s8], [sflag:$0x1] =	stream.indirect.gather [hbm4b:s4+s11], $0x10, s5, s11, $0xb8;
	[tilespmem:$0x17A00] =	vst v63  }
0x2f: {  	s9 =	simm.s32 $0x380;
	s12 =	simm.s32 $0x4200  }
0x30: {  	[tilespmem:s12], [sflag:$0x1] =	stream.indirect.gather [hbm4b:s4+s11], $0x10, s9, s11, $0xb8;
	[tilespmem:$0x17A00] =	vst v63  }
0x31: {  	s5 =	simm.s32 $0x400;
	s8 =	simm.s32 $0x4A00  }
0x32: {  	[tilespmem:s8], [sflag:$0x1] =	stream.indirect.gather [hbm4b:s4+s11], $0x10, s5, s11, $0xb8;
	[tilespmem:$0x17A00] =	vst v63  }
0x33: {  	s9 =	simm.s32 $0x480;
	s12 =	simm.s32 $0x5200  }
0x34: {  	[tilespmem:s12], [sflag:$0x1] =	stream.indirect.gather [hbm4b:s4+s11], $0x10, s9, s11, $0xb8;
	[tilespmem:$0x17A00] =	vst v63  }
0x35: {  	s5 =	rddreg [dreg:$0x4]  }
0x36: {  	[tilespmem:s31], [sflag:$0x3] =	stream.linear.gather [hbm4b:s5+s2], $0x500, $0x38;
	[tilespmem:$0x17A00] =	vst v63  }
0x37: {  	_ =	swait.ge [sflag:s10], $0x500  }
0x38: {  	[sflag:s10] =	ssyncset.done $0x0  }
0x39: {  	s8 =	simm.s32 $0x5A00;
	[sflag:s10] =	ssyncadd.s32 $0xFFFFFB00  }
0x3a: {  	[tilespmem:s8], [sflag:$0x2] =	stream.indirect.gather [hbm4b:s4+s11], $0x10, s31, s11, $0xb8;
	[tilespmem:$0x17A00] =	vst v63  }
0x3b: {  	s9 =	simm.s32 $0x580;
	s12 =	simm.s32 $0x6200  }
0x3c: {  	[tilespmem:s12], [sflag:$0x2] =	stream.indirect.gather [hbm4b:s4+s11], $0x10, s9, s11, $0xb8;
	[tilespmem:$0x17A00] =	vst v63  }
0x3d: {  	_ = 	snop  }
0x3e: {  	[tilespmem:s14], [sflag:$0x2] =	stream.indirect.gather [hbm4b:s4+s11], $0x10, s13, s11, $0xb8;
	[tilespmem:$0x17A00] =	vst v63  }
0x3f: {  	_ = 	snop  }
0x40: {  	[tilespmem:s16], [sflag:$0x2] =	stream.indirect.gather [hbm4b:s4+s11], $0x10, s15, s11, $0xb8;
	[tilespmem:$0x17A00] =	vst v63  }
0x41: {  	_ = 	snop  }
0x42: {  	[tilespmem:s18], [sflag:$0x2] =	stream.indirect.gather [hbm4b:s4+s11], $0x10, s17, s11, $0xb8;
	[tilespmem:$0x17A00] =	vst v63  }
0x43: {  	_ = 	snop  }
0x44: {  	[tilespmem:s20], [sflag:$0x2] =	stream.indirect.gather [hbm4b:s4+s11], $0x10, s19, s11, $0xb8;
	[tilespmem:$0x17A00] =	vst v63  }
0x45: {  	_ = 	snop  }
0x46: {  	[tilespmem:s22], [sflag:$0x2] =	stream.indirect.gather [hbm4b:s4+s11], $0x10, s21, s11, $0xb8;
	[tilespmem:$0x17A00] =	vst v63  }
0x47: {  	_ = 	snop  }
0x48: {  	[tilespmem:s24], [sflag:$0x2] =	stream.indirect.gather [hbm4b:s4+s11], $0x10, s23, s11, $0xb8;
	[tilespmem:$0x17A00] =	vst v63  }
0x49: {  	_ = 	snop  }
0x4a: {  	[tilespmem:s26], [sflag:$0x2] =	stream.indirect.gather [hbm4b:s4+s11], $0x10, s25, s11, $0xb8;
	[tilespmem:$0x17A00] =	vst v63  }
0x4b: {  	s5 =	simm.s32 $0x0;
	s9 =	simm.s32 $0xAA00  }
0x4c: {  	[tilespmem:s29], [sflag:$0x2] =	stream.indirect.gather [hbm4b:s4+s11], $0x10, s28, s11, $0xb8;
	[tilespmem:$0x17A00] =	vst v63  }
.LBB2_2:
0x4d: {  	_ =	swait.ge [sflag:s30], $0x800  }
0x4e: {  	[sflag:s30] =	ssyncset.done $0x0  }
0x4f: {  	[sflag:s30] =	ssyncadd.s32 $0xFFFFF800  }
0x50: {  	_ =	swait.ge [sflag:s30], $0x800  }
0x51: {  	[sflag:s30] =	ssyncset.done $0x0  }
0x52: {  	[sflag:s30] =	ssyncadd.s32 $0xFFFFF800  }
0x53: {  	_ =	swait.ge [sflag:s30], $0x800  }
0x54: {  	[sflag:s30] =	ssyncset.done $0x0  }
0x55: {  	[sflag:s30] =	ssyncadd.s32 $0xFFFFF800  }
0x56: {  	_ =	swait.ge [sflag:s30], $0x800  }
0x57: {  	[sflag:s30] =	ssyncset.done $0x0  }
0x58: {  	[sflag:s30] =	ssyncadd.s32 $0xFFFFF800  }
0x59: {  	_ =	swait.ge [sflag:s30], $0x800  }
0x5a: {  	[sflag:s30] =	ssyncset.done $0x0  }
0x5b: {  	[sflag:s30] =	ssyncadd.s32 $0xFFFFF800  }
0x5c: {  	_ =	swait.ge [sflag:s30], $0x800  }
0x5d: {  	[sflag:s30] =	ssyncset.done $0x0  }
0x5e: {  	[sflag:s30] =	ssyncadd.s32 $0xFFFFF800  }
0x5f: {  	_ =	swait.ge [sflag:s30], $0x800  }
0x60: {  	[sflag:s30] =	ssyncset.done $0x0  }
0x61: {  	[sflag:s30] =	ssyncadd.s32 $0xFFFFF800  }
0x62: {  	_ =	swait.ge [sflag:s30], $0x800  }
0x63: {  	[sflag:s30] =	ssyncset.done $0x0  }
0x64: {  	[sflag:s30] =	ssyncadd.s32 $0xFFFFF800  }
0x65: {  	_ =	swait.ge [sflag:s30], $0x800  }
0x66: {  	[sflag:s30] =	ssyncset.done $0x0  }
0x67: {  	[sflag:s30] =	ssyncadd.s32 $0xFFFFF800  }
0x68: {  	_ =	swait.ge [sflag:s30], $0x800  }
0x69: {  	[sflag:s30] =	ssyncset.done $0x0  }
0x6a: {  	s8 =	simm.s32 $0xB40;
	[sflag:s30] =	ssyncadd.s32 $0xFFFFF800  }
0x6b: {  	v1 =	vld [tilespmem:s8+$0x10]  }
0x6c: {  	v2 =	vld [tilespmem:s8+$0xFFFFFEC0]  }
0x6d: {  	v3 =	vld [tilespmem:s8+$0xFFFFFED0]  }
0x6e: {  	v4 =	vld [tilespmem:s8+$0x0]  }
0x6f: {  	v5 =	vld [tilespmem:s8+$0xFFFFFEE0]  }
0x70: {  	v6 =	vld [tilespmem:s8+$0x20]  }
0x71: {  	v7 =	vld [tilespmem:s8+$0xFFFFFEF0]  }
0x72: {  	v8 =	vld [tilespmem:s8+$0xFFFFFF00];
	v2 =	vadd.f32 v3, v2  }
0x73: {  	v3 =	vld [tilespmem:s8+$0x30]  }
0x74: {  	v36 =	vld [tilespmem:s8+$0x40];
	v1 =	vadd.f32 v1, v4;
	v2 =	vadd.f32 v5, v2  }
0x75: {  	v37 =	vld [tilespmem:s8+$0xFFFFFF10]  }
0x76: {  	v38 =	vld [tilespmem:s8+$0x50];
	v1 =	vadd.f32 v6, v1;
	v2 =	vadd.f32 v7, v2  }
0x77: {  	v39 =	vld [tilespmem:s8+$0xFFFFFF20]  }
0x78: {  	v40 =	vld [tilespmem:s8+$0xFFFFFF30];
	v1 =	vadd.f32 v3, v1;
	v2 =	vadd.f32 v8, v2  }
0x79: {  	v3 =	vld [tilespmem:s8+$0x60]  }
0x7a: {  	v41 =	vld [tilespmem:s8+$0x70];
	v1 =	vadd.f32 v36, v1;
	v2 =	vadd.f32 v37, v2  }
0x7b: {  	v42 =	vld [tilespmem:s8+$0xFFFFFF40]  }
0x7c: {  	v43 =	vld [tilespmem:s8+$0x80];
	v1 =	vadd.f32 v38, v1;
	v2 =	vadd.f32 v39, v2  }
0x7d: {  	v44 =	vld [tilespmem:s8+$0xFFFFFF50]  }
0x7e: {  	v45 =	vld [tilespmem:s8+$0xFFFFFF60];
	v1 =	vadd.f32 v3, v1;
	v2 =	vadd.f32 v40, v2  }
0x7f: {  	v3 =	vld [tilespmem:s8+$0x90]  }
0x80: {  	v46 =	vld [tilespmem:s8+$0xA0];
	v1 =	vadd.f32 v41, v1;
	v2 =	vadd.f32 v42, v2  }
0x81: {  	v47 =	vld [tilespmem:s8+$0xFFFFFF70]  }
0x82: {  	v48 =	vld [tilespmem:s8+$0xB0];
	v1 =	vadd.f32 v43, v1;
	v2 =	vadd.f32 v44, v2  }
0x83: {  	v49 =	vld [tilespmem:s8+$0xFFFFFF80]  }
0x84: {  	v50 =	vld [tilespmem:s8+$0xFFFFFF90];
	v1 =	vadd.f32 v3, v1;
	v2 =	vadd.f32 v45, v2  }
0x85: {  	v3 =	vld [tilespmem:s8+$0xC0]  }
0x86: {  	v51 =	vld [tilespmem:s8+$0xD0];
	v1 =	vadd.f32 v46, v1;
	v2 =	vadd.f32 v47, v2  }
0x87: {  	v52 =	vld [tilespmem:s8+$0xFFFFFFA0]  }
0x88: {  	v53 =	vld [tilespmem:s8+$0xE0];
	v1 =	vadd.f32 v48, v1;
	v2 =	vadd.f32 v49, v2  }
0x89: {  	v54 =	vld [tilespmem:s8+$0xFFFFFFB0]  }
0x8a: {  	v55 =	vld [tilespmem:s8+$0xFFFFFFC0];
	v1 =	vadd.f32 v3, v1;
	v2 =	vadd.f32 v50, v2  }
0x8b: {  	v3 =	vld [tilespmem:s8+$0xF0]  }
0x8c: {  	v56 =	vld [tilespmem:s8+$0x100];
	v1 =	vadd.f32 v51, v1;
	v2 =	vadd.f32 v52, v2  }
0x8d: {  	v57 =	vld [tilespmem:s8+$0xFFFFFFD0]  }
0x8e: {  	v58 =	vld [tilespmem:s8+$0x110];
	v1 =	vadd.f32 v53, v1;
	v2 =	vadd.f32 v54, v2  }
0x8f: {  	v59 =	vld [tilespmem:s8+$0xFFFFFFE0]  }
0x90: {  	v60 =	vld [tilespmem:s8+$0xFFFFFFF0];
	v1 =	vadd.f32 v3, v1;
	v2 =	vadd.f32 v55, v2  }
0x91: {  	v3 =	vld [tilespmem:s8+$0x120]  }
0x92: {  	v1 =	vadd.f32 v56, v1;
	v2 =	vadd.f32 v57, v2  }
0x93: {  	v61 =	vld [tilespmem:s8+$0x130]  }
0x94: {  	v62 =	vadd.f32 v58, v1;
	v2 =	vadd.f32 v59, v2  }
0x95: {  	v1 =	vmov s9  }
0x96: {  	v3 =	vadd.f32 v3, v62;
	v2 =	vadd.f32 v60, v2;
	_ =	sdelay $0x1  }
0x97: {  	v3 =	vadd.f32 v61, v3;
	v63 =	vmul.f32 v2, v0  }
0x98: {  	s0 =	simm.s32 $0x0  }
0x99: {  	s1 =	simm.s32 $0xD00;
	v2 =	vmul.f32 v3, v0;
	[tilespmem:v1+s0+$0x0 ss:$0x1] =	vst.idx.msk $0xffff, v63  }
.LBB2_3:
0x9a: {  	p0 =	sne.s32 s1, $0x19300  }
0x9b: {  	[tilespmem:v1+s0+$0x1A0 ss:$0x1] =	vst.idx.msk $0xffff, v2;
	s8 =	sadd.s32 $0x280, s8;
	s0 =	smov.u32 s1;
	s1 =	sadd.s32 $0xD00, s1  }
0x9c: {  	v2 =	vld [tilespmem:s8+$0x10]  }
0x9d: {  	v3 =	vld [tilespmem:s8+$0xFFFFFEC0]  }
0x9e: {  	v4 =	vld [tilespmem:s8+$0xFFFFFED0]  }
0x9f: {  	v5 =	vld [tilespmem:s8+$0x0]  }
0xa0: {  	v6 =	vld [tilespmem:s8+$0xFFFFFEE0]  }
0xa1: {  	v7 =	vld [tilespmem:s8+$0x20]  }
0xa2: {  	v8 =	vld [tilespmem:s8+$0xFFFFFEF0]  }
0xa3: {  	v3 =	vadd.f32 v4, v3;
	v4 =	vld [tilespmem:s8+$0x30]  }
0xa4: {  	v2 =	vadd.f32 v2, v5;
	v5 =	vld [tilespmem:s8+$0xFFFFFF00]  }
0xa5: {  	v3 =	vadd.f32 v6, v3;
	v6 =	vld [tilespmem:s8+$0x40]  }
0xa6: {  	v2 =	vadd.f32 v7, v2;
	v7 =	vld [tilespmem:s8+$0xFFFFFF10]  }
0xa7: {  	v3 =	vadd.f32 v8, v3;
	v8 =	vld [tilespmem:s8+$0x50]  }
0xa8: {  	v2 =	vadd.f32 v4, v2;
	v4 =	vld [tilespmem:s8+$0xFFFFFF20]  }
0xa9: {  	v3 =	vadd.f32 v5, v3;
	v5 =	vld [tilespmem:s8+$0x60]  }
0xaa: {  	v2 =	vadd.f32 v6, v2;
	v6 =	vld [tilespmem:s8+$0xFFFFFF30]  }
0xab: {  	v3 =	vadd.f32 v7, v3;
	v7 =	vld [tilespmem:s8+$0x70]  }
0xac: {  	v2 =	vadd.f32 v8, v2;
	v8 =	vld [tilespmem:s8+$0xFFFFFF40]  }
0xad: {  	v3 =	vadd.f32 v4, v3;
	v4 =	vld [tilespmem:s8+$0x80]  }
0xae: {  	v2 =	vadd.f32 v5, v2;
	v5 =	vld [tilespmem:s8+$0xFFFFFF50]  }
0xaf: {  	v3 =	vadd.f32 v6, v3;
	v6 =	vld [tilespmem:s8+$0x90]  }
0xb0: {  	v2 =	vadd.f32 v7, v2;
	v7 =	vld [tilespmem:s8+$0xFFFFFF60]  }
0xb1: {  	v3 =	vadd.f32 v8, v3;
	v8 =	vld [tilespmem:s8+$0xA0]  }
0xb2: {  	v2 =	vadd.f32 v4, v2;
	v4 =	vld [tilespmem:s8+$0xFFFFFF70]  }
0xb3: {  	v3 =	vadd.f32 v5, v3;
	v5 =	vld [tilespmem:s8+$0xB0]  }
0xb4: {  	v2 =	vadd.f32 v6, v2;
	v6 =	vld [tilespmem:s8+$0xFFFFFF80]  }
0xb5: {  	v3 =	vadd.f32 v7, v3;
	v7 =	vld [tilespmem:s8+$0xC0]  }
0xb6: {  	v2 =	vadd.f32 v8, v2;
	v8 =	vld [tilespmem:s8+$0xFFFFFF90]  }
0xb7: {  	v3 =	vadd.f32 v4, v3;
	v4 =	vld [tilespmem:s8+$0xD0]  }
0xb8: {  	v2 =	vadd.f32 v5, v2;
	v5 =	vld [tilespmem:s8+$0xFFFFFFA0]  }
0xb9: {  	v3 =	vadd.f32 v6, v3;
	v6 =	vld [tilespmem:s8+$0xE0]  }
0xba: {  	v2 =	vadd.f32 v7, v2;
	v7 =	vld [tilespmem:s8+$0xFFFFFFB0]  }
0xbb: {  	v3 =	vadd.f32 v8, v3;
	v8 =	vld [tilespmem:s8+$0xF0]  }
0xbc: {  	v2 =	vadd.f32 v4, v2;
	v4 =	vld [tilespmem:s8+$0xFFFFFFC0]  }
0xbd: {  	v3 =	vadd.f32 v5, v3;
	v5 =	vld [tilespmem:s8+$0x100]  }
0xbe: {  	v2 =	vadd.f32 v6, v2;
	v6 =	vld [tilespmem:s8+$0xFFFFFFD0]  }
0xbf: {  	v3 =	vadd.f32 v7, v3;
	v7 =	vld [tilespmem:s8+$0x110]  }
0xc0: {  	v2 =	vadd.f32 v8, v2;
	v8 =	vld [tilespmem:s8+$0xFFFFFFE0]  }
0xc1: {  	v3 =	vadd.f32 v4, v3;
	v4 =	vld [tilespmem:s8+$0x120]  }
0xc2: {  	v2 =	vadd.f32 v5, v2;
	v5 =	vld [tilespmem:s8+$0xFFFFFFF0]  }
0xc3: {  	v3 =	vadd.f32 v6, v3;
	v6 =	vld [tilespmem:s8+$0x130]  }
0xc4: {  	v2 =	vadd.f32 v7, v2  }
0xc5: {  	v3 =	vadd.f32 v8, v3  }
0xc6: {  	v2 =	vadd.f32 v4, v2  }
.Ltmp2:
0xc7: {  	v3 =	vadd.f32 v5, v3;
	(pc) =	sbr.rel @p0 .LBB2_3-.Ltmp2, $4  }
0xc8: {  	v2 =	vadd.f32 v6, v2  }
0xc9: {  	v3 =	vmul.f32 v3, v0  }
0xca: {  	s0 =	sshra.s32 s0, $0x2;
	v2 =	vmul.f32 v2, v0  }
0xcb: {  	[tilespmem:v1+s0+$0x0 ss:$0x1] =	vst.idx.msk $0xffff, v3  }
0xcc: {  	p0 =	seq.s32 s5, $0x19  }
0xcd: {  	s1 =	sshll.u32 @!p0 s5, $0x5  }
0xce: {  	s1 =	sadd.s32 @!p0 s7, s1  }
0xcf: {  	s1 =	smul.u32 @!p0 $0x140, s1;
	_ =	sdelay $0x1  }
0xd0: {  	[tilespmem:v1+s0+$0x1A0 ss:$0x1] =	vst.idx.msk $0xffff, v2;
	s0 =	sadd.s32 @!p0 s3, s1;
	s1 =	simm.s32 @!p0 $0x0  }
0xd1: {  	[tilespmem:s1], [sflag:$0x3] =	stream.linear.gather @!p0 [hbm4b:s0+s1], $0x500, $0x38;
	[tilespmem:$0x17A00] =	vst v63  }
0xd2: {  	s0 =	simm.s32 @!p0 $0x3  }
0xd3: {  	_ =	swait.ge @!p0 [sflag:s0], $0x500  }
0xd4: {  	[sflag:s0] =	ssyncset.done @!p0 $0x0  }
0xd5: {  	s8 =	simm.s32 @!p0 $0xA00;
	[sflag:s0] =	ssyncadd.s32 @!p0 $0xFFFFFB00;
	s0 =	simm.s32 @!p0 $0x80  }
0xd6: {  	[tilespmem:s8], [sflag:$0x1] =	stream.indirect.gather @!p0 [hbm4b:s4+s0], $0x10, s1, s0, $0xb8;
	[tilespmem:$0x17A00] =	vst v63  }
0xd7: {  	s1 =	simm.s32 @!p0 $0x1200  }
0xd8: {  	[tilespmem:s1], [sflag:$0x1] =	stream.indirect.gather @!p0 [hbm4b:s4+s0], $0x10, s0, s0, $0xb8;
	[tilespmem:$0x17A00] =	vst v63  }
0xd9: {  	s8 =	simm.s32 @!p0 $0x1A00;
	s1 =	simm.s32 @!p0 $0x100  }
0xda: {  	[tilespmem:s8], [sflag:$0x1] =	stream.indirect.gather @!p0 [hbm4b:s4+s0], $0x10, s1, s0, $0xb8;
	[tilespmem:$0x17A00] =	vst v63  }
0xdb: {  	s1 =	simm.s32 @!p0 $0x180;
	s8 =	simm.s32 @!p0 $0x2200  }
0xdc: {  	[tilespmem:s8], [sflag:$0x1] =	stream.indirect.gather @!p0 [hbm4b:s4+s0], $0x10, s1, s0, $0xb8;
	[tilespmem:$0x17A00] =	vst v63  }
0xdd: {  	s1 =	simm.s32 @!p0 $0x200;
	s8 =	simm.s32 @!p0 $0x2A00  }
0xde: {  	[tilespmem:s8], [sflag:$0x1] =	stream.indirect.gather @!p0 [hbm4b:s4+s0], $0x10, s1, s0, $0xb8;
	[tilespmem:$0x17A00] =	vst v63  }
0xdf: {  	s1 =	simm.s32 @!p0 $0x280;
	s8 =	simm.s32 @!p0 $0x3200  }
0xe0: {  	[tilespmem:s8], [sflag:$0x1] =	stream.indirect.gather @!p0 [hbm4b:s4+s0], $0x10, s1, s0, $0xb8;
	[tilespmem:$0x17A00] =	vst v63  }
0xe1: {  	s1 =	simm.s32 @!p0 $0x300;
	s8 =	simm.s32 @!p0 $0x3A00  }
0xe2: {  	[tilespmem:s8], [sflag:$0x1] =	stream.indirect.gather @!p0 [hbm4b:s4+s0], $0x10, s1, s0, $0xb8;
	[tilespmem:$0x17A00] =	vst v63  }
0xe3: {  	s1 =	simm.s32 @!p0 $0x380;
	s8 =	simm.s32 @!p0 $0x4200  }
0xe4: {  	[tilespmem:s8], [sflag:$0x1] =	stream.indirect.gather @!p0 [hbm4b:s4+s0], $0x10, s1, s0, $0xb8;
	[tilespmem:$0x17A00] =	vst v63  }
0xe5: {  	s1 =	simm.s32 @!p0 $0x400;
	s8 =	simm.s32 @!p0 $0x4A00  }
0xe6: {  	[tilespmem:s8], [sflag:$0x1] =	stream.indirect.gather @!p0 [hbm4b:s4+s0], $0x10, s1, s0, $0xb8;
	[tilespmem:$0x17A00] =	vst v63  }
0xe7: {  	s1 =	simm.s32 @!p0 $0x480;
	s8 =	simm.s32 @!p0 $0x5200  }
0xe8: {  	[tilespmem:s8], [sflag:$0x1] =	stream.indirect.gather @!p0 [hbm4b:s4+s0], $0x10, s1, s0, $0xb8;
	[tilespmem:$0x17A00] =	vst v63  }
0xe9: {  	_ =	swait.ge [sflag:s6], $0x800  }
0xea: {  	[sflag:s6] =	ssyncset.done $0x0  }
0xeb: {  	[sflag:s6] =	ssyncadd.s32 $0xFFFFF800  }
0xec: {  	_ =	swait.ge [sflag:s6], $0x800  }
0xed: {  	[sflag:s6] =	ssyncset.done $0x0  }
0xee: {  	[sflag:s6] =	ssyncadd.s32 $0xFFFFF800  }
0xef: {  	_ =	swait.ge [sflag:s6], $0x800  }
0xf0: {  	[sflag:s6] =	ssyncset.done $0x0  }
0xf1: {  	[sflag:s6] =	ssyncadd.s32 $0xFFFFF800  }
0xf2: {  	_ =	swait.ge [sflag:s6], $0x800  }
0xf3: {  	[sflag:s6] =	ssyncset.done $0x0  }
0xf4: {  	[sflag:s6] =	ssyncadd.s32 $0xFFFFF800  }
0xf5: {  	_ =	swait.ge [sflag:s6], $0x800  }
0xf6: {  	[sflag:s6] =	ssyncset.done $0x0  }
0xf7: {  	[sflag:s6] =	ssyncadd.s32 $0xFFFFF800  }
0xf8: {  	_ =	swait.ge [sflag:s6], $0x800  }
0xf9: {  	[sflag:s6] =	ssyncset.done $0x0  }
0xfa: {  	[sflag:s6] =	ssyncadd.s32 $0xFFFFF800  }
0xfb: {  	_ =	swait.ge [sflag:s6], $0x800  }
0xfc: {  	[sflag:s6] =	ssyncset.done $0x0  }
0xfd: {  	[sflag:s6] =	ssyncadd.s32 $0xFFFFF800  }
0xfe: {  	_ =	swait.ge [sflag:s6], $0x800  }
0xff: {  	[sflag:s6] =	ssyncset.done $0x0  }
0x100: {  	[sflag:s6] =	ssyncadd.s32 $0xFFFFF800  }
0x101: {  	_ =	swait.ge [sflag:s6], $0x800  }
0x102: {  	[sflag:s6] =	ssyncset.done $0x0  }
0x103: {  	[sflag:s6] =	ssyncadd.s32 $0xFFFFF800  }
0x104: {  	_ =	swait.ge [sflag:s6], $0x800  }
0x105: {  	[sflag:s6] =	ssyncset.done $0x0  }
0x106: {  	s1 =	simm.s32 $0x5B40;
	[sflag:s6] =	ssyncadd.s32 $0xFFFFF800  }
0x107: {  	v2 =	vld [tilespmem:s1+$0xFFFFFED0]  }
0x108: {  	v4 =	vld [tilespmem:s1+$0xFFFFFEC0]  }
0x109: {  	v3 =	vld [tilespmem:s1+$0x10]  }
0x10a: {  	s8 =	simm.s32 $0xFFFE6000;
	s0 =	simm.s32 $0xFFFE6D00;
	v5 =	vld [tilespmem:s1+$0x0]  }
.LBB2_5:
0x10b: {  	p1 =	sne.s32 s0, $0xFFFFF300;
	v6 =	vld [tilespmem:s1+$0xFFFFFEE0]  }
0x10c: {  	v7 =	vld [tilespmem:s1+$0x20]  }
0x10d: {  	v8 =	vld [tilespmem:s1+$0xFFFFFEF0]  }
0x10e: {  	v2 =	vadd.f32 v2, v4;
	v4 =	vld [tilespmem:s1+$0x30]  }
0x10f: {  	v3 =	vadd.f32 v3, v5;
	v5 =	vld [tilespmem:s1+$0xFFFFFF00]  }
0x110: {  	v2 =	vadd.f32 v6, v2;
	v6 =	vld [tilespmem:s1+$0x40]  }
0x111: {  	v3 =	vadd.f32 v7, v3;
	v7 =	vld [tilespmem:s1+$0xFFFFFF10]  }
0x112: {  	v2 =	vadd.f32 v8, v2;
	v8 =	vld [tilespmem:s1+$0x50]  }
0x113: {  	v3 =	vadd.f32 v4, v3;
	v4 =	vld [tilespmem:s1+$0xFFFFFF20]  }
0x114: {  	v2 =	vadd.f32 v5, v2;
	v5 =	vld [tilespmem:s1+$0x60]  }
0x115: {  	v3 =	vadd.f32 v6, v3;
	v6 =	vld [tilespmem:s1+$0xFFFFFF30]  }
0x116: {  	v2 =	vadd.f32 v7, v2;
	v7 =	vld [tilespmem:s1+$0x70]  }
0x117: {  	v3 =	vadd.f32 v8, v3;
	v8 =	vld [tilespmem:s1+$0xFFFFFF40]  }
0x118: {  	v2 =	vadd.f32 v4, v2;
	v4 =	vld [tilespmem:s1+$0x80]  }
0x119: {  	v3 =	vadd.f32 v5, v3;
	v5 =	vld [tilespmem:s1+$0xFFFFFF50]  }
0x11a: {  	v2 =	vadd.f32 v6, v2;
	v6 =	vld [tilespmem:s1+$0x90]  }
0x11b: {  	v3 =	vadd.f32 v7, v3;
	v7 =	vld [tilespmem:s1+$0xFFFFFF60]  }
0x11c: {  	v2 =	vadd.f32 v8, v2;
	v8 =	vld [tilespmem:s1+$0xA0]  }
0x11d: {  	v3 =	vadd.f32 v4, v3;
	v4 =	vld [tilespmem:s1+$0xFFFFFF70]  }
0x11e: {  	v2 =	vadd.f32 v5, v2;
	v5 =	vld [tilespmem:s1+$0xB0]  }
0x11f: {  	v3 =	vadd.f32 v6, v3;
	v6 =	vld [tilespmem:s1+$0xFFFFFF80]  }
0x120: {  	v2 =	vadd.f32 v7, v2;
	v7 =	vld [tilespmem:s1+$0xC0]  }
0x121: {  	v3 =	vadd.f32 v8, v3;
	v8 =	vld [tilespmem:s1+$0xFFFFFF90]  }
0x122: {  	v2 =	vadd.f32 v4, v2;
	v4 =	vld [tilespmem:s1+$0xD0]  }
0x123: {  	v3 =	vadd.f32 v5, v3;
	v5 =	vld [tilespmem:s1+$0xFFFFFFA0]  }
0x124: {  	v2 =	vadd.f32 v6, v2;
	v6 =	vld [tilespmem:s1+$0xE0]  }
0x125: {  	v3 =	vadd.f32 v7, v3;
	v7 =	vld [tilespmem:s1+$0xFFFFFFB0]  }
0x126: {  	v2 =	vadd.f32 v8, v2;
	v8 =	vld [tilespmem:s1+$0xF0]  }
0x127: {  	v3 =	vadd.f32 v4, v3;
	v4 =	vld [tilespmem:s1+$0xFFFFFFC0]  }
0x128: {  	v2 =	vadd.f32 v5, v2;
	v5 =	vld [tilespmem:s1+$0x100]  }
0x129: {  	v3 =	vadd.f32 v6, v3;
	v6 =	vld [tilespmem:s1+$0xFFFFFFD0]  }
0x12a: {  	v2 =	vadd.f32 v7, v2;
	v7 =	vld [tilespmem:s1+$0x110]  }
0x12b: {  	v3 =	vadd.f32 v8, v3;
	v8 =	vld [tilespmem:s1+$0xFFFFFFE0]  }
0x12c: {  	v2 =	vadd.f32 v4, v2;
	v4 =	vld [tilespmem:s1+$0x120]  }
0x12d: {  	v3 =	vadd.f32 v5, v3;
	v5 =	vld [tilespmem:s1+$0xFFFFFFF0]  }
0x12e: {  	v2 =	vadd.f32 v6, v2;
	v6 =	vld [tilespmem:s1+$0x130]  }
0x12f: {  	v3 =	vadd.f32 v7, v3  }
0x130: {  	v2 =	vadd.f32 v8, v2  }
0x131: {  	v3 =	vadd.f32 v4, v3  }
0x132: {  	v2 =	vadd.f32 v5, v2  }
0x133: {  	v3 =	vadd.f32 v6, v3  }
0x134: {  	v2 =	vmul.f32 v2, v0  }
0x135: {  	s12 =	sshra.s32 s8, $0x2;
	s8 =	smov.u32 s0;
	v3 =	vmul.f32 v3, v0  }
0x136: {  	[tilespmem:v1+s12+$0xD000 ss:$0x1] =	vst.idx.msk $0xffff, v2  }
.Ltmp3:
0x137: {  	s1 =	sadd.s32 $0x280, s1;
	[tilespmem:v1+s12+$0xD1A0 ss:$0x1] =	vst.idx.msk $0xffff, v3;
	(pc) =	sbr.rel @p1 .LBB2_5-.Ltmp3, $4  }
0x138: {  	v2 =	vld [tilespmem:s1+$0xFFFFFED0]  }
0x139: {  	v4 =	vld [tilespmem:s1+$0xFFFFFEC0]  }
0x13a: {  	v3 =	vld [tilespmem:s1+$0x10]  }
0x13b: {  	s0 =	sadd.s32 $0xD00, s0;
	v5 =	vld [tilespmem:s1+$0x0]  }
0x13c: {  	v6 =	vld [tilespmem:s1+$0xFFFFFEE0]  }
0x13d: {  	v7 =	vld [tilespmem:s1+$0x20]  }
0x13e: {  	v8 =	vld [tilespmem:s1+$0xFFFFFEF0]  }
0x13f: {  	v31 =	vld [tilespmem:s1+$0x30];
	v2 =	vadd.f32 v2, v4  }
0x140: {  	v32 =	vld [tilespmem:s1+$0xFFFFFF00];
	v3 =	vadd.f32 v3, v5  }
0x141: {  	v33 =	vld [tilespmem:s1+$0x40];
	v2 =	vadd.f32 v6, v2  }
0x142: {  	v34 =	vld [tilespmem:s1+$0xFFFFFF10];
	v3 =	vadd.f32 v7, v3  }
0x143: {  	v35 =	vld [tilespmem:s1+$0x50];
	v2 =	vadd.f32 v8, v2  }
0x144: {  	v36 =	vld [tilespmem:s1+$0xFFFFFF20];
	v3 =	vadd.f32 v31, v3  }
0x145: {  	v37 =	vld [tilespmem:s1+$0x60];
	v2 =	vadd.f32 v32, v2  }
0x146: {  	v38 =	vld [tilespmem:s1+$0xFFFFFF30];
	v3 =	vadd.f32 v33, v3  }
0x147: {  	v39 =	vld [tilespmem:s1+$0x70];
	v2 =	vadd.f32 v34, v2  }
0x148: {  	v40 =	vld [tilespmem:s1+$0xFFFFFF40];
	v3 =	vadd.f32 v35, v3  }
0x149: {  	v41 =	vld [tilespmem:s1+$0x80];
	v2 =	vadd.f32 v36, v2  }
0x14a: {  	v42 =	vld [tilespmem:s1+$0xFFFFFF50];
	v3 =	vadd.f32 v37, v3  }
0x14b: {  	v43 =	vld [tilespmem:s1+$0x90];
	v2 =	vadd.f32 v38, v2  }
0x14c: {  	v44 =	vld [tilespmem:s1+$0xFFFFFF60];
	v3 =	vadd.f32 v39, v3  }
0x14d: {  	v45 =	vld [tilespmem:s1+$0xA0];
	v2 =	vadd.f32 v40, v2  }
0x14e: {  	v46 =	vld [tilespmem:s1+$0xFFFFFF70];
	v3 =	vadd.f32 v41, v3  }
0x14f: {  	v47 =	vld [tilespmem:s1+$0xB0];
	v2 =	vadd.f32 v42, v2  }
0x150: {  	v48 =	vld [tilespmem:s1+$0xFFFFFF80];
	v3 =	vadd.f32 v43, v3  }
0x151: {  	v49 =	vld [tilespmem:s1+$0xC0];
	v2 =	vadd.f32 v44, v2  }
0x152: {  	v50 =	vld [tilespmem:s1+$0xFFFFFF90];
	v3 =	vadd.f32 v45, v3  }
0x153: {  	v51 =	vld [tilespmem:s1+$0xD0];
	v2 =	vadd.f32 v46, v2  }
0x154: {  	v52 =	vld [tilespmem:s1+$0xFFFFFFA0];
	v3 =	vadd.f32 v47, v3  }
0x155: {  	v53 =	vld [tilespmem:s1+$0xE0];
	v2 =	vadd.f32 v48, v2  }
0x156: {  	v54 =	vld [tilespmem:s1+$0xFFFFFFB0];
	v3 =	vadd.f32 v49, v3  }
0x157: {  	v55 =	vld [tilespmem:s1+$0xF0];
	v2 =	vadd.f32 v50, v2  }
0x158: {  	v56 =	vld [tilespmem:s1+$0xFFFFFFC0];
	v3 =	vadd.f32 v51, v3  }
0x159: {  	v57 =	vld [tilespmem:s1+$0x100];
	v2 =	vadd.f32 v52, v2  }
0x15a: {  	v58 =	vld [tilespmem:s1+$0xFFFFFFD0];
	v3 =	vadd.f32 v53, v3  }
0x15b: {  	v59 =	vld [tilespmem:s1+$0x110];
	v2 =	vadd.f32 v54, v2  }
0x15c: {  	v60 =	vld [tilespmem:s1+$0xFFFFFFE0];
	v3 =	vadd.f32 v55, v3  }
0x15d: {  	v61 =	vld [tilespmem:s1+$0x120];
	v2 =	vadd.f32 v56, v2  }
0x15e: {  	v62 =	vld [tilespmem:s1+$0xFFFFFFF0];
	v3 =	vadd.f32 v57, v3  }
0x15f: {  	v63 =	vld [tilespmem:s1+$0x130];
	v2 =	vadd.f32 v58, v2  }
0x160: {  	v3 =	vadd.f32 v59, v3  }
0x161: {  	v2 =	vadd.f32 v60, v2  }
0x162: {  	v3 =	vadd.f32 v61, v3  }
0x163: {  	v2 =	vadd.f32 v62, v2  }
.Ltmp4:
0x164: {  	v3 =	vadd.f32 v63, v3;
	(pc) =	sbr.rel @p0 .LBB2_8-.Ltmp4, $4  }
0x165: {  	v2 =	vmul.f32 v2, v0  }
0x166: {  	s0 =	sshra.s32 s8, $0x2;
	v3 =	vmul.f32 v3, v0  }
0x167: {  	[tilespmem:v1+s0+$0xD000 ss:$0x1] =	vst.idx.msk $0xffff, v2  }
0x168: {  	[tilespmem:v1+s0+$0xD1A0 ss:$0x1] =	vst.idx.msk $0xffff, v3  }
0x169: {  	s0 =	sshll.u32 s5, $0x5  }
0x16a: {  	s0 =	sadd.s32 s7, s0  }
0x16b: {  	s0 =	smul.u32 $0xA00, s0;
	_ =	sdelay $0x1  }
0x16c: {  	s0 =	sshrl.u32 s0, $0x3  }
0x16d: {  	s0 =	sadd.s32 s3, s0  }
0x16e: {  	s0 =	sadd.s32 $0xA0, s0  }
0x16f: {  	[tilespmem:s31], [sflag:$0x3] =	stream.linear.gather [hbm4b:s0+s2], $0x500, $0x38;
	[tilespmem:$0x17A00] =	vst v63  }
0x170: {  	_ =	swait.ge [sflag:s10], $0x500  }
0x171: {  	[sflag:s10] =	ssyncset.done $0x0  }
0x172: {  	s8 =	simm.s32 $0x5A00;
	[sflag:s10] =	ssyncadd.s32 $0xFFFFFB00  }
0x173: {  	[tilespmem:s8], [sflag:$0x2] =	stream.indirect.gather [hbm4b:s4+s11], $0x10, s31, s11, $0xb8;
	[tilespmem:$0x17A00] =	vst v63  }
0x174: {  	s12 =	simm.s32 $0x580;
	s1 =	simm.s32 $0x6200  }
0x175: {  	[tilespmem:s1], [sflag:$0x2] =	stream.indirect.gather [hbm4b:s4+s11], $0x10, s12, s11, $0xb8;
	[tilespmem:$0x17A00] =	vst v63  }
0x176: {  	_ = 	snop  }
0x177: {  	[tilespmem:s14], [sflag:$0x2] =	stream.indirect.gather [hbm4b:s4+s11], $0x10, s13, s11, $0xb8;
	[tilespmem:$0x17A00] =	vst v63  }
0x178: {  	_ = 	snop  }
0x179: {  	[tilespmem:s16], [sflag:$0x2] =	stream.indirect.gather [hbm4b:s4+s11], $0x10, s15, s11, $0xb8;
	[tilespmem:$0x17A00] =	vst v63  }
0x17a: {  	_ = 	snop  }
0x17b: {  	[tilespmem:s18], [sflag:$0x2] =	stream.indirect.gather [hbm4b:s4+s11], $0x10, s17, s11, $0xb8;
	[tilespmem:$0x17A00] =	vst v63  }
0x17c: {  	_ = 	snop  }
0x17d: {  	[tilespmem:s20], [sflag:$0x2] =	stream.indirect.gather [hbm4b:s4+s11], $0x10, s19, s11, $0xb8;
	[tilespmem:$0x17A00] =	vst v63  }
0x17e: {  	_ = 	snop  }
0x17f: {  	[tilespmem:s22], [sflag:$0x2] =	stream.indirect.gather [hbm4b:s4+s11], $0x10, s21, s11, $0xb8;
	[tilespmem:$0x17A00] =	vst v63  }
0x180: {  	_ = 	snop  }
0x181: {  	[tilespmem:s24], [sflag:$0x2] =	stream.indirect.gather [hbm4b:s4+s11], $0x10, s23, s11, $0xb8;
	[tilespmem:$0x17A00] =	vst v63  }
.Ltmp5:
0x182: {  	_ = 	snop;
	(pc) =	sbr.rel .LBB2_2-.Ltmp5, $4  }
0x183: {  	_ = 	snop  }
0x184: {  	[tilespmem:s26], [sflag:$0x2] =	stream.indirect.gather [hbm4b:s4+s11], $0x10, s25, s11, $0xb8;
	[tilespmem:$0x17A00] =	vst v63  }
0x185: {  	s5 =	sadd.s32 $0x1, s5;
	s9 =	sadd.s32 $0x10, s9  }
0x186: {  	[tilespmem:s29], [sflag:$0x2] =	stream.indirect.gather [hbm4b:s4+s11], $0x10, s28, s11, $0xb8;
	[tilespmem:$0x17A00] =	vst v63  }
.LBB2_9:
0x187: {  	_ =	sfence.sel $0x180000  }
0x188: {  	[bflag:$0x0] =	sbarrier.arrive $0xFFFF  }
0x189: {  	_ =	strace $0x90000047  }
0x18a: {  	s0 =	stileid.u32;
	[bflag:$0x2] =	sbarrier.arrive $0xFFFF  }
0x18b: {  	p0 =	sne.s32 s0, $0x0;
	s0 =	rddreg [dreg:$0x2]  }
0x18c: {  	s0 =	sadd.s32 @!p0 $0x100000, s0  }
0x18d: {  	[sflag:s0] =	ssyncadd.tile.s32 @!p0 $0x1;
	_ =	shalt  }
.Lfunc_end2:
_tile_overlayer_lowered:
.L_overlay_start_2:
0x18e: {  	(tag) =	ssettag $0x2  }
0x18f: {  	s0 =	rddreg [dreg:$0x0];
	s2 =	stileid.u32  }
0x190: {  	s1 =	rddreg [dreg:$0x1];
	p0 =	sne.s32 s2, $0x0  }
0x191: {  	s3 =	rddreg [dreg:$0x2];
	[bflag:$0x3] =	sbarrier.arrive $0xFFFF;
	s2 =	simm.s32 @!p0 $0x1C03  }
0x192: {  	[timem:s3], [sflag:s2] =	dma.local @!p0 [hbm:s0], s1  }
0x193: {  	s0 =	simm.s32 @!p0 $0x3  }
0x194: {  	_ =	swait.ge @!p0 [sflag:s0], s1  }
0x195: {  	s1 =	ssub.s32 @!p0 $0x0, s1;
	[sflag:s0] =	ssyncset.done @!p0 $0x0  }
0x196: {  	[sflag:s0] =	ssyncadd.s32 @!p0 s1  }
0x197: {  	[bflag:$0x3] =	sbarrier.arrive $0xFFFF  }
0x198: {  	_ =	shalt  }

</sc_bundles>
